<compile_context>
chip_gen: v7x
topology: tpu7x:2x2x1
jax: 0.10.2.dev20260603
libtpu: 0.0.44.dev20260713+nightly
codegen_flags: <defaults>
</compile_context>

<pallas_src>
import jax
import jax.numpy as jnp
from jax import lax
from jax.experimental import pallas as pl
from jax.experimental.pallas import tpu as pltpu
from jax.experimental.pallas import tpu_sc as plsc

_VOCAB = 1000000
_D = 128
_CTX = 200
_HID = 128

_PER_W = 8
_ACTIVE = _CTX // _PER_W

_T = 32768
_NSTEPS = (_VOCAB + _T - 1) // _T

_C = 8000
_NCH = _VOCAB // _C
_K = 4
_KO = 4



def _sc_body(idx_hbm, emb_hbm, out_hbm, idx_v, rows_v, part_v, sem):
    wid = lax.axis_index("s") * 2 + lax.axis_index("c")

    @pl.when(wid < _ACTIVE)
    def _():
        base = wid * _PER_W
        pltpu.sync_copy(idx_hbm.at[pl.ds(base, _PER_W)], idx_v)
        pltpu.async_copy(emb_hbm.at[idx_v], rows_v, sem).wait()
        for c in range(_D // 16):
            acc = jnp.zeros((16,), jnp.float32)
            for r in range(_PER_W):
                acc = acc + rows_v[r, pl.ds(c * 16, 16)]
            part_v[pl.ds(c * 16, 16)] = acc
        pltpu.sync_copy(part_v, out_hbm.at[wid])


def _sc_gather_sum(x, emb):
    f = pl.kernel(
        _sc_body,
        out_type=jax.ShapeDtypeStruct((_ACTIVE, _D), jnp.float32),
        mesh=plsc.VectorSubcoreMesh(core_axis_name="c", subcore_axis_name="s"),
        scratch_types=[
            pltpu.VMEM((_PER_W,), jnp.int32),
            pltpu.VMEM((_PER_W, _D), jnp.float32),
            pltpu.VMEM((_D,), jnp.float32),
            pltpu.SemaphoreType.DMA,
        ],
    )
    return f(x, emb)



def _logits_body(parts, wp, w1, b1, w2_hbm, b2_hbm, o_hbm, lse_ref,
                 w2buf, b2buf, obuf, in_sems, ob_sems, out_sems,
                 m_scr, s_scr):
    s = jnp.sum(parts[...], axis=0, keepdims=True)
    p = lax.dot_general(s, wp[...], (((1,), (1,)), ((), ())),
                        preferred_element_type=jnp.float32)
    h = lax.dot_general(p, w1[...], (((1,), (1,)), ((), ())),
                        preferred_element_type=jnp.float32) + b1[...]
    h = jnp.maximum(h, 0.0).astype(jnp.bfloat16)
    m_scr[0] = -jnp.inf
    s_scr[0] = 0.0

    def _start_in(c, slot):
        pltpu.make_async_copy(
            w2_hbm.at[pl.ds(c * _C, _C), :], w2buf.at[slot],
            in_sems.at[slot]).start()

    b2_cp = pltpu.make_async_copy(b2_hbm, b2buf, ob_sems)
    b2_cp.start()
    for c in range(_K - 1):
        _start_in(c, c)
    b2_cp.wait()

    def _step(i, _):
        slot = lax.rem(i, _K)
        nxt = i + _K - 1

        @pl.when(nxt < _NCH)
        def _():
            _start_in(nxt, lax.rem(nxt, _K))

        pltpu.make_async_copy(
            w2_hbm.at[pl.ds(i * _C, _C), :], w2buf.at[slot],
            in_sems.at[slot]).wait()

        o_t = lax.dot_general(h, w2buf[slot].astype(jnp.bfloat16),
                              (((1,), (1,)), ((), ())),
                              preferred_element_type=jnp.float32) + b2buf[pl.ds(i, 1), :]
        m_old = m_scr[0]
        m_new = jnp.maximum(m_old, jnp.max(o_t))
        s_scr[0] = s_scr[0] * jnp.exp(m_old - m_new) + jnp.sum(jnp.exp(o_t - m_new))
        m_scr[0] = m_new

        oslot = lax.rem(i, _KO)

        @pl.when(i >= _KO)
        def _():
            pltpu.make_async_copy(
                obuf.at[oslot], o_hbm.at[pl.ds(i - _KO, 1), :],
                out_sems.at[oslot]).wait()

        obuf[oslot] = o_t
        pltpu.make_async_copy(
            obuf.at[oslot], o_hbm.at[pl.ds(i, 1), :],
            out_sems.at[oslot]).start()
        return 0

    lax.fori_loop(0, _NCH, _step, 0)

    for d in range(_KO):
        c = _NCH - _KO + d
        pltpu.make_async_copy(
            obuf.at[c % _KO], o_hbm.at[pl.ds(c, 1), :],
            out_sems.at[c % _KO]).wait()

    lse_ref[0, 0] = m_scr[0] + jnp.log(s_scr[0])


def _tc_logits(parts, wp, w1, b1, w2, b2):
    return pl.pallas_call(
        _logits_body,
        in_specs=[
            pl.BlockSpec(memory_space=pltpu.VMEM),
            pl.BlockSpec(memory_space=pltpu.VMEM),
            pl.BlockSpec(memory_space=pltpu.VMEM),
            pl.BlockSpec(memory_space=pltpu.VMEM),
            pl.BlockSpec(memory_space=pl.ANY),
            pl.BlockSpec(memory_space=pl.ANY),
        ],
        out_specs=[
            pl.BlockSpec(memory_space=pl.ANY),
            pl.BlockSpec(memory_space=pltpu.SMEM),
        ],
        out_shape=[
            jax.ShapeDtypeStruct((_NCH, _C), jnp.float32),
            jax.ShapeDtypeStruct((1, 1), jnp.float32),
        ],
        scratch_shapes=[
            pltpu.VMEM((_K, _C, _D), jnp.float32),
            pltpu.VMEM((_NCH, _C), jnp.float32),
            pltpu.VMEM((_KO, 1, _C), jnp.float32),
            pltpu.SemaphoreType.DMA((_K,)),
            pltpu.SemaphoreType.DMA,
            pltpu.SemaphoreType.DMA((_KO,)),
            pltpu.SMEM((1,), jnp.float32),
            pltpu.SMEM((1,), jnp.float32),
        ],
    )(parts, wp, w1, b1, w2, b2)


def _norm_step(o_ref, lse_ref, out_ref):
    out_ref[...] = o_ref[...] - lse_ref[0, 0]


def _tc_norm(o, lse):
    return pl.pallas_call(
        _norm_step,
        grid=(_NSTEPS,),
        in_specs=[
            pl.BlockSpec((1, _T), lambda i: (0, i)),
            pl.BlockSpec(memory_space=pltpu.SMEM),
        ],
        out_specs=pl.BlockSpec((1, _T), lambda i: (0, i)),
        out_shape=jax.ShapeDtypeStruct((1, _VOCAB), jnp.float32),
    )(o, lse)


def kernel(x, emb, W_proj, W1, b1, W2, b2):
    x = x.astype(jnp.int32)
    parts = _sc_gather_sum(x, emb)
    o2, lse = _tc_logits(parts, W_proj, W1,
                         b1.reshape(1, _HID), W2, b2.reshape(_NCH, _C))
    return _tc_norm(o2.reshape(1, _VOCAB), lse)

# --- scband reference (transcript-rebuilt; emitter-appended) ---
"""Pipeline reference for scband-cbow-2018634629439 (READ-ONLY COPY).

The authoritative reference and input builder live on the scoring server;
editing this copy changes nothing except your own understanding.
"""

import jax, jax.numpy as jnp
import numpy as np

N_WORD = 1000000
N_DIM = 128
CTX = 200
HID = 128

def setup_inputs(seed: int = 0) -> dict:
    key = jax.random.key(seed)
    k1, k2, k3, k4, k5, k6, k7 = jax.random.split(key, 7)
    x = jax.random.randint(k1, (CTX,), 0, N_WORD, dtype=jnp.int64)
    emb = jax.random.normal(k2, (N_WORD, N_DIM), dtype=jnp.float32) * 0.02
    W_proj = jax.random.normal(k3, (N_DIM, N_DIM), dtype=jnp.float32) * 0.02
    W1 = jax.random.normal(k4, (HID, N_DIM), dtype=jnp.float32) * 0.02
    b1 = jnp.zeros((HID,), dtype=jnp.float32)
    W2 = jax.random.normal(k5, (N_WORD, HID), dtype=jnp.float32) * 0.02
    b2 = jnp.zeros((N_WORD,), dtype=jnp.float32)
    return {"x": x, "emb": emb, "W_proj": W_proj, "W1": W1, "b1": b1, "W2": W2, "b2": b2}

def reference(x, emb, W_proj, W1, b1, W2, b2):
    # embedding lookup (SparseCore gather)
    e = jnp.take(emb, x, axis=0)              # [CTX, N_DIM]
    # project (bias-free linear)
    p = e @ W_proj.T                           # [CTX, N_DIM]
    # sum over context dimension, keepdim
    s = jnp.sum(p, axis=0, keepdims=True)      # [1, N_DIM]
    # linear1 + relu
    h = jax.nn.relu(s @ W1.T + b1)             # [1, HID]
    # linear2 to vocab
    o = h @ W2.T + b2                          # [1, N_WORD]
    # log_softmax over vocab
    return jax.nn.log_softmax(o, axis=1)

if __name__ == "__main__":
    import jax
    _d = setup_inputs()
    print(jax.jit(kernel)(*tuple(_d.values())))

</pallas_src>

<mosaic_0001>
#map = affine_map<(d0, d1) -> (0)>
#map1 = affine_map<(d0, d1) -> (0, 0)>
module attributes {stable_mosaic.version = 14 : i64} {
  func.func @_sc_body(%arg0: i32, %arg1: i32, %arg2: memref<200xi32, #tpu.memory_space<hbm>>, %arg3: memref<1000000x128xf32, #tpu.memory_space<hbm>>, %arg4: memref<25x128xf32, #tpu.memory_space<hbm>>, %arg5: memref<8xi32, #tpu.memory_space<vmem>>, %arg6: memref<8x128xf32, #tpu.memory_space<vmem>>, %arg7: memref<128xf32, #tpu.memory_space<vmem>>, %arg8: memref<!tpu.dma_semaphore, #tpu.memory_space<semaphore_mem>>) attributes {dimension_semantics = [#tpu.dimension_semantics<core_parallel>, #tpu.dimension_semantics<subcore_parallel>], iteration_bounds = array<i64: 2, 16>, scalar_prefetch = 0 : i64, scratch_operands = 4 : i64, tpu.core_type = #tpu.core_type<sc_vector_subcore>, window_params = [{transform_indices = #map}, {transform_indices = #map1}, {transform_indices = #map1}]} {
    %mul3A = arith.constant 2 : i32
    %mul3A_0 = arith.muli %arg1, %mul3A : i32
    %add3A = arith.addi %mul3A_0, %arg0 : i32
    %lt3A = arith.constant 25 : i32
    %lt3A_1 = arith.cmpi slt, %add3A, %lt3A : i32
    %convert_element_type3A = arith.extui %lt3A_1 : i1 to i32
    %cond3A = arith.constant 0 : i32
    %cond3A_2 = arith.cmpi ne, %convert_element_type3A, %cond3A : i32
    scf.if %cond3A_2 {
      %mul3A_3 = arith.constant 8 : i32
      %mul3A_4 = arith.muli %add3A, %mul3A_3 : i32
      "tpu.region"() ({
        %run_scoped3A = tpu.sem_alloc : memref<!tpu.dma_semaphore, #tpu.memory_space<semaphore_mem>>
        %dma_start3A_438 = tpu.memref_slice %arg2[%mul3A_4] : memref<200xi32, #tpu.memory_space<hbm>> -> memref<8xi32, #tpu.memory_space<hbm>>
        %dma_start3A_439 = tpu.memref_slice %arg2[%mul3A_4] : memref<200xi32, #tpu.memory_space<hbm>> -> memref<8xi32, #tpu.memory_space<hbm>>
        tpu.enqueue_dma source(%dma_start3A_439 : memref<8xi32, #tpu.memory_space<hbm>>) target(%arg5 : memref<8xi32, #tpu.memory_space<vmem>>) target_semaphore(%run_scoped3A : memref<!tpu.dma_semaphore, #tpu.memory_space<semaphore_mem>>)
        %dma_wait3A_440 = tpu.memref_slice %arg2[%mul3A_4] : memref<200xi32, #tpu.memory_space<hbm>> -> memref<8xi32, #tpu.memory_space<hbm>>
        %dma_wait3A_441 = tpu.memref_slice %arg2[%mul3A_4] : memref<200xi32, #tpu.memory_space<hbm>> -> memref<8xi32, #tpu.memory_space<hbm>>
        tpu.wait_dma2 semaphore(%run_scoped3A : memref<!tpu.dma_semaphore, #tpu.memory_space<semaphore_mem>>) src(%dma_wait3A_441 : memref<8xi32, #tpu.memory_space<hbm>>) dst(%arg5 : memref<8xi32, #tpu.memory_space<vmem>>)
        tpu.yield
      }) : () -> ()
      %dma_start3A = arith.constant 0 : i32
      %dma_start3A_5 = arith.constant 0 : i32
      %dma_start3A_6 = tpu.memref_slice %arg3[%dma_start3A, %dma_start3A_5] : memref<1000000x128xf32, #tpu.memory_space<hbm>> -> memref<1000000x128xf32, #tpu.memory_space<hbm>>
      tpu.enqueue_indirect_dma source(%dma_start3A_6 : memref<1000000x128xf32, #tpu.memory_space<hbm>>) target(%arg6 : memref<8x128xf32, #tpu.memory_space<vmem>>) offsets(%arg5 : memref<8xi32, #tpu.memory_space<vmem>>) semaphore(%arg8 : memref<!tpu.dma_semaphore, #tpu.memory_space<semaphore_mem>>)
      %dma_wait3A = arith.constant 0 : i32
      %dma_wait3A_7 = arith.constant 0 : i32
      %dma_wait3A_8 = tpu.memref_slice %arg3[%dma_wait3A, %dma_wait3A_7] : memref<1000000x128xf32, #tpu.memory_space<hbm>> -> memref<1000000x128xf32, #tpu.memory_space<hbm>>
      tpu.wait_indirect_dma semaphore(%arg8 : memref<!tpu.dma_semaphore, #tpu.memory_space<semaphore_mem>>) src(%dma_wait3A_8 : memref<1000000x128xf32, #tpu.memory_space<hbm>>) dst(%arg6 : memref<8x128xf32, #tpu.memory_space<vmem>>)
      %broadcast_in_dim3A = arith.constant 0.000000e+00 : f32
      %broadcast_in_dim3A_9 = vector.broadcast %broadcast_in_dim3A : f32 to vector<16xf32>
      %get3A = arith.constant 0 : i32
      %get3A_10 = arith.index_cast %get3A : i32 to index
      %get3A_11 = arith.constant 0 : index
      %get3A_12 = tpu.vector_load %arg6[%get3A_10, %get3A_11] {strides = array<i32>} : memref<8x128xf32, #tpu.memory_space<vmem>>, vector<1x16xf32>,
      %get3A_13 = vector.shape_cast %get3A_12 : vector<1x16xf32> to vector<16xf32>
      %add3A_14 = arith.addf %broadcast_in_dim3A_9, %get3A_13 : vector<16xf32>
      %get3A_15 = arith.constant 1 : i32
      %get3A_16 = arith.index_cast %get3A_15 : i32 to index
      %get3A_17 = arith.constant 0 : index
      %get3A_18 = tpu.vector_load %arg6[%get3A_16, %get3A_17] {strides = array<i32>} : memref<8x128xf32, #tpu.memory_space<vmem>>, vector<1x16xf32>,
      %get3A_19 = vector.shape_cast %get3A_18 : vector<1x16xf32> to vector<16xf32>
      %add3A_20 = arith.addf %add3A_14, %get3A_19 : vector<16xf32>
      %get3A_21 = arith.constant 2 : i32
      %get3A_22 = arith.index_cast %get3A_21 : i32 to index
      %get3A_23 = arith.constant 0 : index
      %get3A_24 = tpu.vector_load %arg6[%get3A_22, %get3A_23] {strides = array<i32>} : memref<8x128xf32, #tpu.memory_space<vmem>>, vector<1x16xf32>,
      %get3A_25 = vector.shape_cast %get3A_24 : vector<1x16xf32> to vector<16xf32>
      %add3A_26 = arith.addf %add3A_20, %get3A_25 : vector<16xf32>
      %get3A_27 = arith.constant 3 : i32
      %get3A_28 = arith.index_cast %get3A_27 : i32 to index
      %get3A_29 = arith.constant 0 : index
      %get3A_30 = tpu.vector_load %arg6[%get3A_28, %get3A_29] {strides = array<i32>} : memref<8x128xf32, #tpu.memory_space<vmem>>, vector<1x16xf32>,
      %get3A_31 = vector.shape_cast %get3A_30 : vector<1x16xf32> to vector<16xf32>
      %add3A_32 = arith.addf %add3A_26, %get3A_31 : vector<16xf32>
      %get3A_33 = arith.constant 4 : i32
      %get3A_34 = arith.index_cast %get3A_33 : i32 to index
      %get3A_35 = arith.constant 0 : index
      %get3A_36 = tpu.vector_load %arg6[%get3A_34, %get3A_35] {strides = array<i32>} : memref<8x128xf32, #tpu.memory_space<vmem>>, vector<1x16xf32>,
      %get3A_37 = vector.shape_cast %get3A_36 : vector<1x16xf32> to vector<16xf32>
      %add3A_38 = arith.addf %add3A_32, %get3A_37 : vector<16xf32>
      %get3A_39 = arith.constant 5 : i32
      %get3A_40 = arith.index_cast %get3A_39 : i32 to index
      %get3A_41 = arith.constant 0 : index
      %get3A_42 = tpu.vector_load %arg6[%get3A_40, %get3A_41] {strides = array<i32>} : memref<8x128xf32, #tpu.memory_space<vmem>>, vector<1x16xf32>,
      %get3A_43 = vector.shape_cast %get3A_42 : vector<1x16xf32> to vector<16xf32>
      %add3A_44 = arith.addf %add3A_38, %get3A_43 : vector<16xf32>
      %get3A_45 = arith.constant 6 : i32
      %get3A_46 = arith.index_cast %get3A_45 : i32 to index
      %get3A_47 = arith.constant 0 : index
      %get3A_48 = tpu.vector_load %arg6[%get3A_46, %get3A_47] {strides = array<i32>} : memref<8x128xf32, #tpu.memory_space<vmem>>, vector<1x16xf32>,
      %get3A_49 = vector.shape_cast %get3A_48 : vector<1x16xf32> to vector<16xf32>
      %add3A_50 = arith.addf %add3A_44, %get3A_49 : vector<16xf32>
      %get3A_51 = arith.constant 7 : i32
      %get3A_52 = arith.index_cast %get3A_51 : i32 to index
      %get3A_53 = arith.constant 0 : index
      %get3A_54 = tpu.vector_load %arg6[%get3A_52, %get3A_53] {strides = array<i32>} : memref<8x128xf32, #tpu.memory_space<vmem>>, vector<1x16xf32>,
      %get3A_55 = vector.shape_cast %get3A_54 : vector<1x16xf32> to vector<16xf32>
      %add3A_56 = arith.addf %add3A_50, %get3A_55 : vector<16xf32>
      %swap3A = arith.constant 0 : index
      %swap3A_57 = tpu.vector_load %arg7[%swap3A] {strides = array<i32>} : memref<128xf32, #tpu.memory_space<vmem>>, vector<16xf32>,
      %swap3A_58 = vector.shape_cast %swap3A_57 : vector<16xf32> to vector<16xf32>
      %swap3A_59 = vector.shape_cast %add3A_56 : vector<16xf32> to vector<16xf32>
      tpu.vector_store %arg7[%swap3A], %swap3A_59 {strides = array<i32>} : memref<128xf32, #tpu.memory_space<vmem>>, vector<16xf32>,
      %broadcast_in_dim3A_60 = arith.constant 0.000000e+00 : f32
      %broadcast_in_dim3A_61 = vector.broadcast %broadcast_in_dim3A_60 : f32 to vector<16xf32>
      %get3A_62 = arith.constant 0 : i32
      %get3A_63 = arith.index_cast %get3A_62 : i32 to index
      %get3A_64 = arith.constant 16 : index
      %get3A_65 = tpu.vector_load %arg6[%get3A_63, %get3A_64] {strides = array<i32>} : memref<8x128xf32, #tpu.memory_space<vmem>>, vector<1x16xf32>,
      %get3A_66 = vector.shape_cast %get3A_65 : vector<1x16xf32> to vector<16xf32>
      %add3A_67 = arith.addf %broadcast_in_dim3A_61, %get3A_66 : vector<16xf32>
      %get3A_68 = arith.constant 1 : i32
      %get3A_69 = arith.index_cast %get3A_68 : i32 to index
      %get3A_70 = arith.constant 16 : index
      %get3A_71 = tpu.vector_load %arg6[%get3A_69, %get3A_70] {strides = array<i32>} : memref<8x128xf32, #tpu.memory_space<vmem>>, vector<1x16xf32>,
      %get3A_72 = vector.shape_cast %get3A_71 : vector<1x16xf32> to vector<16xf32>
      %add3A_73 = arith.addf %add3A_67, %get3A_72 : vector<16xf32>
      %get3A_74 = arith.constant 2 : i32
      %get3A_75 = arith.index_cast %get3A_74 : i32 to index
      %get3A_76 = arith.constant 16 : index
      %get3A_77 = tpu.vector_load %arg6[%get3A_75, %get3A_76] {strides = array<i32>} : memref<8x128xf32, #tpu.memory_space<vmem>>, vector<1x16xf32>,
      %get3A_78 = vector.shape_cast %get3A_77 : vector<1x16xf32> to vector<16xf32>
      %add3A_79 = arith.addf %add3A_73, %get3A_78 : vector<16xf32>
      %get3A_80 = arith.constant 3 : i32
      %get3A_81 = arith.index_cast %get3A_80 : i32 to index
      %get3A_82 = arith.constant 16 : index
      %get3A_83 = tpu.vector_load %arg6[%get3A_81, %get3A_82] {strides = array<i32>} : memref<8x128xf32, #tpu.memory_space<vmem>>, vector<1x16xf32>,
      %get3A_84 = vector.shape_cast %get3A_83 : vector<1x16xf32> to vector<16xf32>
      %add3A_85 = arith.addf %add3A_79, %get3A_84 : vector<16xf32>
      %get3A_86 = arith.constant 4 : i32
      %get3A_87 = arith.index_cast %get3A_86 : i32 to index
      %get3A_88 = arith.constant 16 : index
      %get3A_89 = tpu.vector_load %arg6[%get3A_87, %get3A_88] {strides = array<i32>} : memref<8x128xf32, #tpu.memory_space<vmem>>, vector<1x16xf32>,
      %get3A_90 = vector.shape_cast %get3A_89 : vector<1x16xf32> to vector<16xf32>
      %add3A_91 = arith.addf %add3A_85, %get3A_90 : vector<16xf32>
      %get3A_92 = arith.constant 5 : i32
      %get3A_93 = arith.index_cast %get3A_92 : i32 to index
      %get3A_94 = arith.constant 16 : index
      %get3A_95 = tpu.vector_load %arg6[%get3A_93, %get3A_94] {strides = array<i32>} : memref<8x128xf32, #tpu.memory_space<vmem>>, vector<1x16xf32>,
      %get3A_96 = vector.shape_cast %get3A_95 : vector<1x16xf32> to vector<16xf32>
      %add3A_97 = arith.addf %add3A_91, %get3A_96 : vector<16xf32>
      %get3A_98 = arith.constant 6 : i32
      %get3A_99 = arith.index_cast %get3A_98 : i32 to index
      %get3A_100 = arith.constant 16 : index
      %get3A_101 = tpu.vector_load %arg6[%get3A_99, %get3A_100] {strides = array<i32>} : memref<8x128xf32, #tpu.memory_space<vmem>>, vector<1x16xf32>,
      %get3A_102 = vector.shape_cast %get3A_101 : vector<1x16xf32> to vector<16xf32>
      %add3A_103 = arith.addf %add3A_97, %get3A_102 : vector<16xf32>
      %get3A_104 = arith.constant 7 : i32
      %get3A_105 = arith.index_cast %get3A_104 : i32 to index
      %get3A_106 = arith.constant 16 : index
      %get3A_107 = tpu.vector_load %arg6[%get3A_105, %get3A_106] {strides = array<i32>} : memref<8x128xf32, #tpu.memory_space<vmem>>, vector<1x16xf32>,
      %get3A_108 = vector.shape_cast %get3A_107 : vector<1x16xf32> to vector<16xf32>
      %add3A_109 = arith.addf %add3A_103, %get3A_108 : vector<16xf32>
      %swap3A_110 = arith.constant 16 : index
      %swap3A_111 = tpu.vector_load %arg7[%swap3A_110] {strides = array<i32>} : memref<128xf32, #tpu.memory_space<vmem>>, vector<16xf32>,
      %swap3A_112 = vector.shape_cast %swap3A_111 : vector<16xf32> to vector<16xf32>
      %swap3A_113 = vector.shape_cast %add3A_109 : vector<16xf32> to vector<16xf32>
      tpu.vector_store %arg7[%swap3A_110], %swap3A_113 {strides = array<i32>} : memref<128xf32, #tpu.memory_space<vmem>>, vector<16xf32>,
      %broadcast_in_dim3A_114 = arith.constant 0.000000e+00 : f32
      %broadcast_in_dim3A_115 = vector.broadcast %broadcast_in_dim3A_114 : f32 to vector<16xf32>
      %get3A_116 = arith.constant 0 : i32
      %get3A_117 = arith.index_cast %get3A_116 : i32 to index
      %get3A_118 = arith.constant 32 : index
      %get3A_119 = tpu.vector_load %arg6[%get3A_117, %get3A_118] {strides = array<i32>} : memref<8x128xf32, #tpu.memory_space<vmem>>, vector<1x16xf32>,
      %get3A_120 = vector.shape_cast %get3A_119 : vector<1x16xf32> to vector<16xf32>
      %add3A_121 = arith.addf %broadcast_in_dim3A_115, %get3A_120 : vector<16xf32>
      %get3A_122 = arith.constant 1 : i32
      %get3A_123 = arith.index_cast %get3A_122 : i32 to index
      %get3A_124 = arith.constant 32 : index
      %get3A_125 = tpu.vector_load %arg6[%get3A_123, %get3A_124] {strides = array<i32>} : memref<8x128xf32, #tpu.memory_space<vmem>>, vector<1x16xf32>,
      %get3A_126 = vector.shape_cast %get3A_125 : vector<1x16xf32> to vector<16xf32>
      %add3A_127 = arith.addf %add3A_121, %get3A_126 : vector<16xf32>
      %get3A_128 = arith.constant 2 : i32
      %get3A_129 = arith.index_cast %get3A_128 : i32 to index
      %get3A_130 = arith.constant 32 : index
      %get3A_131 = tpu.vector_load %arg6[%get3A_129, %get3A_130] {strides = array<i32>} : memref<8x128xf32, #tpu.memory_space<vmem>>, vector<1x16xf32>,
      %get3A_132 = vector.shape_cast %get3A_131 : vector<1x16xf32> to vector<16xf32>
      %add3A_133 = arith.addf %add3A_127, %get3A_132 : vector<16xf32>
      %get3A_134 = arith.constant 3 : i32
      %get3A_135 = arith.index_cast %get3A_134 : i32 to index
      %get3A_136 = arith.constant 32 : index
      %get3A_137 = tpu.vector_load %arg6[%get3A_135, %get3A_136] {strides = array<i32>} : memref<8x128xf32, #tpu.memory_space<vmem>>, vector<1x16xf32>,
      %get3A_138 = vector.shape_cast %get3A_137 : vector<1x16xf32> to vector<16xf32>
      %add3A_139 = arith.addf %add3A_133, %get3A_138 : vector<16xf32>
      %get3A_140 = arith.constant 4 : i32
      %get3A_141 = arith.index_cast %get3A_140 : i32 to index
      %get3A_142 = arith.constant 32 : index
      %get3A_143 = tpu.vector_load %arg6[%get3A_141, %get3A_142] {strides = array<i32>} : memref<8x128xf32, #tpu.memory_space<vmem>>, vector<1x16xf32>,
      %get3A_144 = vector.shape_cast %get3A_143 : vector<1x16xf32> to vector<16xf32>
      %add3A_145 = arith.addf %add3A_139, %get3A_144 : vector<16xf32>
      %get3A_146 = arith.constant 5 : i32
      %get3A_147 = arith.index_cast %get3A_146 : i32 to index
      %get3A_148 = arith.constant 32 : index
      %get3A_149 = tpu.vector_load %arg6[%get3A_147, %get3A_148] {strides = array<i32>} : memref<8x128xf32, #tpu.memory_space<vmem>>, vector<1x16xf32>,
      %get3A_150 = vector.shape_cast %get3A_149 : vector<1x16xf32> to vector<16xf32>
      %add3A_151 = arith.addf %add3A_145, %get3A_150 : vector<16xf32>
      %get3A_152 = arith.constant 6 : i32
      %get3A_153 = arith.index_cast %get3A_152 : i32 to index
      %get3A_154 = arith.constant 32 : index
      %get3A_155 = tpu.vector_load %arg6[%get3A_153, %get3A_154] {strides = array<i32>} : memref<8x128xf32, #tpu.memory_space<vmem>>, vector<1x16xf32>,
      %get3A_156 = vector.shape_cast %get3A_155 : vector<1x16xf32> to vector<16xf32>
      %add3A_157 = arith.addf %add3A_151, %get3A_156 : vector<16xf32>
      %get3A_158 = arith.constant 7 : i32
      %get3A_159 = arith.index_cast %get3A_158 : i32 to index
      %get3A_160 = arith.constant 32 : index
      %get3A_161 = tpu.vector_load %arg6[%get3A_159, %get3A_160] {strides = array<i32>} : memref<8x128xf32, #tpu.memory_space<vmem>>, vector<1x16xf32>,
      %get3A_162 = vector.shape_cast %get3A_161 : vector<1x16xf32> to vector<16xf32>
      %add3A_163 = arith.addf %add3A_157, %get3A_162 : vector<16xf32>
      %swap3A_164 = arith.constant 32 : index
      %swap3A_165 = tpu.vector_load %arg7[%swap3A_164] {strides = array<i32>} : memref<128xf32, #tpu.memory_space<vmem>>, vector<16xf32>,
      %swap3A_166 = vector.shape_cast %swap3A_165 : vector<16xf32> to vector<16xf32>
      %swap3A_167 = vector.shape_cast %add3A_163 : vector<16xf32> to vector<16xf32>
      tpu.vector_store %arg7[%swap3A_164], %swap3A_167 {strides = array<i32>} : memref<128xf32, #tpu.memory_space<vmem>>, vector<16xf32>,
      %broadcast_in_dim3A_168 = arith.constant 0.000000e+00 : f32
      %broadcast_in_dim3A_169 = vector.broadcast %broadcast_in_dim3A_168 : f32 to vector<16xf32>
      %get3A_170 = arith.constant 0 : i32
      %get3A_171 = arith.index_cast %get3A_170 : i32 to index
      %get3A_172 = arith.constant 48 : index
      %get3A_173 = tpu.vector_load %arg6[%get3A_171, %get3A_172] {strides = array<i32>} : memref<8x128xf32, #tpu.memory_space<vmem>>, vector<1x16xf32>,
      %get3A_174 = vector.shape_cast %get3A_173 : vector<1x16xf32> to vector<16xf32>
      %add3A_175 = arith.addf %broadcast_in_dim3A_169, %get3A_174 : vector<16xf32>
      %get3A_176 = arith.constant 1 : i32
      %get3A_177 = arith.index_cast %get3A_176 : i32 to index
      %get3A_178 = arith.constant 48 : index
      %get3A_179 = tpu.vector_load %arg6[%get3A_177, %get3A_178] {strides = array<i32>} : memref<8x128xf32, #tpu.memory_space<vmem>>, vector<1x16xf32>,
      %get3A_180 = vector.shape_cast %get3A_179 : vector<1x16xf32> to vector<16xf32>
      %add3A_181 = arith.addf %add3A_175, %get3A_180 : vector<16xf32>
      %get3A_182 = arith.constant 2 : i32
      %get3A_183 = arith.index_cast %get3A_182 : i32 to index
      %get3A_184 = arith.constant 48 : index
      %get3A_185 = tpu.vector_load %arg6[%get3A_183, %get3A_184] {strides = array<i32>} : memref<8x128xf32, #tpu.memory_space<vmem>>, vector<1x16xf32>,
      %get3A_186 = vector.shape_cast %get3A_185 : vector<1x16xf32> to vector<16xf32>
      %add3A_187 = arith.addf %add3A_181, %get3A_186 : vector<16xf32>
      %get3A_188 = arith.constant 3 : i32
      %get3A_189 = arith.index_cast %get3A_188 : i32 to index
      %get3A_190 = arith.constant 48 : index
      %get3A_191 = tpu.vector_load %arg6[%get3A_189, %get3A_190] {strides = array<i32>} : memref<8x128xf32, #tpu.memory_space<vmem>>, vector<1x16xf32>,
      %get3A_192 = vector.shape_cast %get3A_191 : vector<1x16xf32> to vector<16xf32>
      %add3A_193 = arith.addf %add3A_187, %get3A_192 : vector<16xf32>
      %get3A_194 = arith.constant 4 : i32
      %get3A_195 = arith.index_cast %get3A_194 : i32 to index
      %get3A_196 = arith.constant 48 : index
      %get3A_197 = tpu.vector_load %arg6[%get3A_195, %get3A_196] {strides = array<i32>} : memref<8x128xf32, #tpu.memory_space<vmem>>, vector<1x16xf32>,
      %get3A_198 = vector.shape_cast %get3A_197 : vector<1x16xf32> to vector<16xf32>
      %add3A_199 = arith.addf %add3A_193, %get3A_198 : vector<16xf32>
      %get3A_200 = arith.constant 5 : i32
      %get3A_201 = arith.index_cast %get3A_200 : i32 to index
      %get3A_202 = arith.constant 48 : index
      %get3A_203 = tpu.vector_load %arg6[%get3A_201, %get3A_202] {strides = array<i32>} : memref<8x128xf32, #tpu.memory_space<vmem>>, vector<1x16xf32>,
      %get3A_204 = vector.shape_cast %get3A_203 : vector<1x16xf32> to vector<16xf32>
      %add3A_205 = arith.addf %add3A_199, %get3A_204 : vector<16xf32>
      %get3A_206 = arith.constant 6 : i32
      %get3A_207 = arith.index_cast %get3A_206 : i32 to index
      %get3A_208 = arith.constant 48 : index
      %get3A_209 = tpu.vector_load %arg6[%get3A_207, %get3A_208] {strides = array<i32>} : memref<8x128xf32, #tpu.memory_space<vmem>>, vector<1x16xf32>,
      %get3A_210 = vector.shape_cast %get3A_209 : vector<1x16xf32> to vector<16xf32>
      %add3A_211 = arith.addf %add3A_205, %get3A_210 : vector<16xf32>
      %get3A_212 = arith.constant 7 : i32
      %get3A_213 = arith.index_cast %get3A_212 : i32 to index
      %get3A_214 = arith.constant 48 : index
      %get3A_215 = tpu.vector_load %arg6[%get3A_213, %get3A_214] {strides = array<i32>} : memref<8x128xf32, #tpu.memory_space<vmem>>, vector<1x16xf32>,
      %get3A_216 = vector.shape_cast %get3A_215 : vector<1x16xf32> to vector<16xf32>
      %add3A_217 = arith.addf %add3A_211, %get3A_216 : vector<16xf32>
      %swap3A_218 = arith.constant 48 : index
      %swap3A_219 = tpu.vector_load %arg7[%swap3A_218] {strides = array<i32>} : memref<128xf32, #tpu.memory_space<vmem>>, vector<16xf32>,
      %swap3A_220 = vector.shape_cast %swap3A_219 : vector<16xf32> to vector<16xf32>
      %swap3A_221 = vector.shape_cast %add3A_217 : vector<16xf32> to vector<16xf32>
      tpu.vector_store %arg7[%swap3A_218], %swap3A_221 {strides = array<i32>} : memref<128xf32, #tpu.memory_space<vmem>>, vector<16xf32>,
      %broadcast_in_dim3A_222 = arith.constant 0.000000e+00 : f32
      %broadcast_in_dim3A_223 = vector.broadcast %broadcast_in_dim3A_222 : f32 to vector<16xf32>
      %get3A_224 = arith.constant 0 : i32
      %get3A_225 = arith.index_cast %get3A_224 : i32 to index
      %get3A_226 = arith.constant 64 : index
      %get3A_227 = tpu.vector_load %arg6[%get3A_225, %get3A_226] {strides = array<i32>} : memref<8x128xf32, #tpu.memory_space<vmem>>, vector<1x16xf32>,
      %get3A_228 = vector.shape_cast %get3A_227 : vector<1x16xf32> to vector<16xf32>
      %add3A_229 = arith.addf %broadcast_in_dim3A_223, %get3A_228 : vector<16xf32>
      %get3A_230 = arith.constant 1 : i32
      %get3A_231 = arith.index_cast %get3A_230 : i32 to index
      %get3A_232 = arith.constant 64 : index
      %get3A_233 = tpu.vector_load %arg6[%get3A_231, %get3A_232] {strides = array<i32>} : memref<8x128xf32, #tpu.memory_space<vmem>>, vector<1x16xf32>,
      %get3A_234 = vector.shape_cast %get3A_233 : vector<1x16xf32> to vector<16xf32>
      %add3A_235 = arith.addf %add3A_229, %get3A_234 : vector<16xf32>
      %get3A_236 = arith.constant 2 : i32
      %get3A_237 = arith.index_cast %get3A_236 : i32 to index
      %get3A_238 = arith.constant 64 : index
      %get3A_239 = tpu.vector_load %arg6[%get3A_237, %get3A_238] {strides = array<i32>} : memref<8x128xf32, #tpu.memory_space<vmem>>, vector<1x16xf32>,
      %get3A_240 = vector.shape_cast %get3A_239 : vector<1x16xf32> to vector<16xf32>
      %add3A_241 = arith.addf %add3A_235, %get3A_240 : vector<16xf32>
      %get3A_242 = arith.constant 3 : i32
      %get3A_243 = arith.index_cast %get3A_242 : i32 to index
      %get3A_244 = arith.constant 64 : index
      %get3A_245 = tpu.vector_load %arg6[%get3A_243, %get3A_244] {strides = array<i32>} : memref<8x128xf32, #tpu.memory_space<vmem>>, vector<1x16xf32>,
      %get3A_246 = vector.shape_cast %get3A_245 : vector<1x16xf32> to vector<16xf32>
      %add3A_247 = arith.addf %add3A_241, %get3A_246 : vector<16xf32>
      %get3A_248 = arith.constant 4 : i32
      %get3A_249 = arith.index_cast %get3A_248 : i32 to index
      %get3A_250 = arith.constant 64 : index
      %get3A_251 = tpu.vector_load %arg6[%get3A_249, %get3A_250] {strides = array<i32>} : memref<8x128xf32, #tpu.memory_space<vmem>>, vector<1x16xf32>,
      %get3A_252 = vector.shape_cast %get3A_251 : vector<1x16xf32> to vector<16xf32>
      %add3A_253 = arith.addf %add3A_247, %get3A_252 : vector<16xf32>
      %get3A_254 = arith.constant 5 : i32
      %get3A_255 = arith.index_cast %get3A_254 : i32 to index
      %get3A_256 = arith.constant 64 : index
      %get3A_257 = tpu.vector_load %arg6[%get3A_255, %get3A_256] {strides = array<i32>} : memref<8x128xf32, #tpu.memory_space<vmem>>, vector<1x16xf32>,
      %get3A_258 = vector.shape_cast %get3A_257 : vector<1x16xf32> to vector<16xf32>
      %add3A_259 = arith.addf %add3A_253, %get3A_258 : vector<16xf32>
      %get3A_260 = arith.constant 6 : i32
      %get3A_261 = arith.index_cast %get3A_260 : i32 to index
      %get3A_262 = arith.constant 64 : index
      %get3A_263 = tpu.vector_load %arg6[%get3A_261, %get3A_262] {strides = array<i32>} : memref<8x128xf32, #tpu.memory_space<vmem>>, vector<1x16xf32>,
      %get3A_264 = vector.shape_cast %get3A_263 : vector<1x16xf32> to vector<16xf32>
      %add3A_265 = arith.addf %add3A_259, %get3A_264 : vector<16xf32>
      %get3A_266 = arith.constant 7 : i32
      %get3A_267 = arith.index_cast %get3A_266 : i32 to index
      %get3A_268 = arith.constant 64 : index
      %get3A_269 = tpu.vector_load %arg6[%get3A_267, %get3A_268] {strides = array<i32>} : memref<8x128xf32, #tpu.memory_space<vmem>>, vector<1x16xf32>,
      %get3A_270 = vector.shape_cast %get3A_269 : vector<1x16xf32> to vector<16xf32>
      %add3A_271 = arith.addf %add3A_265, %get3A_270 : vector<16xf32>
      %swap3A_272 = arith.constant 64 : index
      %swap3A_273 = tpu.vector_load %arg7[%swap3A_272] {strides = array<i32>} : memref<128xf32, #tpu.memory_space<vmem>>, vector<16xf32>,
      %swap3A_274 = vector.shape_cast %swap3A_273 : vector<16xf32> to vector<16xf32>
      %swap3A_275 = vector.shape_cast %add3A_271 : vector<16xf32> to vector<16xf32>
      tpu.vector_store %arg7[%swap3A_272], %swap3A_275 {strides = array<i32>} : memref<128xf32, #tpu.memory_space<vmem>>, vector<16xf32>,
      %broadcast_in_dim3A_276 = arith.constant 0.000000e+00 : f32
      %broadcast_in_dim3A_277 = vector.broadcast %broadcast_in_dim3A_276 : f32 to vector<16xf32>
      %get3A_278 = arith.constant 0 : i32
      %get3A_279 = arith.index_cast %get3A_278 : i32 to index
      %get3A_280 = arith.constant 80 : index
      %get3A_281 = tpu.vector_load %arg6[%get3A_279, %get3A_280] {strides = array<i32>} : memref<8x128xf32, #tpu.memory_space<vmem>>, vector<1x16xf32>,
      %get3A_282 = vector.shape_cast %get3A_281 : vector<1x16xf32> to vector<16xf32>
      %add3A_283 = arith.addf %broadcast_in_dim3A_277, %get3A_282 : vector<16xf32>
      %get3A_284 = arith.constant 1 : i32
      %get3A_285 = arith.index_cast %get3A_284 : i32 to index
      %get3A_286 = arith.constant 80 : index
      %get3A_287 = tpu.vector_load %arg6[%get3A_285, %get3A_286] {strides = array<i32>} : memref<8x128xf32, #tpu.memory_space<vmem>>, vector<1x16xf32>,
      %get3A_288 = vector.shape_cast %get3A_287 : vector<1x16xf32> to vector<16xf32>
      %add3A_289 = arith.addf %add3A_283, %get3A_288 : vector<16xf32>
      %get3A_290 = arith.constant 2 : i32
      %get3A_291 = arith.index_cast %get3A_290 : i32 to index
      %get3A_292 = arith.constant 80 : index
      %get3A_293 = tpu.vector_load %arg6[%get3A_291, %get3A_292] {strides = array<i32>} : memref<8x128xf32, #tpu.memory_space<vmem>>, vector<1x16xf32>,
      %get3A_294 = vector.shape_cast %get3A_293 : vector<1x16xf32> to vector<16xf32>
      %add3A_295 = arith.addf %add3A_289, %get3A_294 : vector<16xf32>
      %get3A_296 = arith.constant 3 : i32
      %get3A_297 = arith.index_cast %get3A_296 : i32 to index
      %get3A_298 = arith.constant 80 : index
      %get3A_299 = tpu.vector_load %arg6[%get3A_297, %get3A_298] {strides = array<i32>} : memref<8x128xf32, #tpu.memory_space<vmem>>, vector<1x16xf32>,
      %get3A_300 = vector.shape_cast %get3A_299 : vector<1x16xf32> to vector<16xf32>
      %add3A_301 = arith.addf %add3A_295, %get3A_300 : vector<16xf32>
      %get3A_302 = arith.constant 4 : i32
      %get3A_303 = arith.index_cast %get3A_302 : i32 to index
      %get3A_304 = arith.constant 80 : index
      %get3A_305 = tpu.vector_load %arg6[%get3A_303, %get3A_304] {strides = array<i32>} : memref<8x128xf32, #tpu.memory_space<vmem>>, vector<1x16xf32>,
      %get3A_306 = vector.shape_cast %get3A_305 : vector<1x16xf32> to vector<16xf32>
      %add3A_307 = arith.addf %add3A_301, %get3A_306 : vector<16xf32>
      %get3A_308 = arith.constant 5 : i32
      %get3A_309 = arith.index_cast %get3A_308 : i32 to index
      %get3A_310 = arith.constant 80 : index
      %get3A_311 = tpu.vector_load %arg6[%get3A_309, %get3A_310] {strides = array<i32>} : memref<8x128xf32, #tpu.memory_space<vmem>>, vector<1x16xf32>,
      %get3A_312 = vector.shape_cast %get3A_311 : vector<1x16xf32> to vector<16xf32>
      %add3A_313 = arith.addf %add3A_307, %get3A_312 : vector<16xf32>
      %get3A_314 = arith.constant 6 : i32
      %get3A_315 = arith.index_cast %get3A_314 : i32 to index
      %get3A_316 = arith.constant 80 : index
      %get3A_317 = tpu.vector_load %arg6[%get3A_315, %get3A_316] {strides = array<i32>} : memref<8x128xf32, #tpu.memory_space<vmem>>, vector<1x16xf32>,
      %get3A_318 = vector.shape_cast %get3A_317 : vector<1x16xf32> to vector<16xf32>
      %add3A_319 = arith.addf %add3A_313, %get3A_318 : vector<16xf32>
      %get3A_320 = arith.constant 7 : i32
      %get3A_321 = arith.index_cast %get3A_320 : i32 to index
      %get3A_322 = arith.constant 80 : index
      %get3A_323 = tpu.vector_load %arg6[%get3A_321, %get3A_322] {strides = array<i32>} : memref<8x128xf32, #tpu.memory_space<vmem>>, vector<1x16xf32>,
      %get3A_324 = vector.shape_cast %get3A_323 : vector<1x16xf32> to vector<16xf32>
      %add3A_325 = arith.addf %add3A_319, %get3A_324 : vector<16xf32>
      %swap3A_326 = arith.constant 80 : index
      %swap3A_327 = tpu.vector_load %arg7[%swap3A_326] {strides = array<i32>} : memref<128xf32, #tpu.memory_space<vmem>>, vector<16xf32>,
      %swap3A_328 = vector.shape_cast %swap3A_327 : vector<16xf32> to vector<16xf32>
      %swap3A_329 = vector.shape_cast %add3A_325 : vector<16xf32> to vector<16xf32>
      tpu.vector_store %arg7[%swap3A_326], %swap3A_329 {strides = array<i32>} : memref<128xf32, #tpu.memory_space<vmem>>, vector<16xf32>,
      %broadcast_in_dim3A_330 = arith.constant 0.000000e+00 : f32
      %broadcast_in_dim3A_331 = vector.broadcast %broadcast_in_dim3A_330 : f32 to vector<16xf32>
      %get3A_332 = arith.constant 0 : i32
      %get3A_333 = arith.index_cast %get3A_332 : i32 to index
      %get3A_334 = arith.constant 96 : index
      %get3A_335 = tpu.vector_load %arg6[%get3A_333, %get3A_334] {strides = array<i32>} : memref<8x128xf32, #tpu.memory_space<vmem>>, vector<1x16xf32>,
      %get3A_336 = vector.shape_cast %get3A_335 : vector<1x16xf32> to vector<16xf32>
      %add3A_337 = arith.addf %broadcast_in_dim3A_331, %get3A_336 : vector<16xf32>
      %get3A_338 = arith.constant 1 : i32
      %get3A_339 = arith.index_cast %get3A_338 : i32 to index
      %get3A_340 = arith.constant 96 : index
      %get3A_341 = tpu.vector_load %arg6[%get3A_339, %get3A_340] {strides = array<i32>} : memref<8x128xf32, #tpu.memory_space<vmem>>, vector<1x16xf32>,
      %get3A_342 = vector.shape_cast %get3A_341 : vector<1x16xf32> to vector<16xf32>
      %add3A_343 = arith.addf %add3A_337, %get3A_342 : vector<16xf32>
      %get3A_344 = arith.constant 2 : i32
      %get3A_345 = arith.index_cast %get3A_344 : i32 to index
      %get3A_346 = arith.constant 96 : index
      %get3A_347 = tpu.vector_load %arg6[%get3A_345, %get3A_346] {strides = array<i32>} : memref<8x128xf32, #tpu.memory_space<vmem>>, vector<1x16xf32>,
      %get3A_348 = vector.shape_cast %get3A_347 : vector<1x16xf32> to vector<16xf32>
      %add3A_349 = arith.addf %add3A_343, %get3A_348 : vector<16xf32>
      %get3A_350 = arith.constant 3 : i32
      %get3A_351 = arith.index_cast %get3A_350 : i32 to index
      %get3A_352 = arith.constant 96 : index
      %get3A_353 = tpu.vector_load %arg6[%get3A_351, %get3A_352] {strides = array<i32>} : memref<8x128xf32, #tpu.memory_space<vmem>>, vector<1x16xf32>,
      %get3A_354 = vector.shape_cast %get3A_353 : vector<1x16xf32> to vector<16xf32>
      %add3A_355 = arith.addf %add3A_349, %get3A_354 : vector<16xf32>
      %get3A_356 = arith.constant 4 : i32
      %get3A_357 = arith.index_cast %get3A_356 : i32 to index
      %get3A_358 = arith.constant 96 : index
      %get3A_359 = tpu.vector_load %arg6[%get3A_357, %get3A_358] {strides = array<i32>} : memref<8x128xf32, #tpu.memory_space<vmem>>, vector<1x16xf32>,
      %get3A_360 = vector.shape_cast %get3A_359 : vector<1x16xf32> to vector<16xf32>
      %add3A_361 = arith.addf %add3A_355, %get3A_360 : vector<16xf32>
      %get3A_362 = arith.constant 5 : i32
      %get3A_363 = arith.index_cast %get3A_362 : i32 to index
      %get3A_364 = arith.constant 96 : index
      %get3A_365 = tpu.vector_load %arg6[%get3A_363, %get3A_364] {strides = array<i32>} : memref<8x128xf32, #tpu.memory_space<vmem>>, vector<1x16xf32>,
      %get3A_366 = vector.shape_cast %get3A_365 : vector<1x16xf32> to vector<16xf32>
      %add3A_367 = arith.addf %add3A_361, %get3A_366 : vector<16xf32>
      %get3A_368 = arith.constant 6 : i32
      %get3A_369 = arith.index_cast %get3A_368 : i32 to index
      %get3A_370 = arith.constant 96 : index
      %get3A_371 = tpu.vector_load %arg6[%get3A_369, %get3A_370] {strides = array<i32>} : memref<8x128xf32, #tpu.memory_space<vmem>>, vector<1x16xf32>,
      %get3A_372 = vector.shape_cast %get3A_371 : vector<1x16xf32> to vector<16xf32>
      %add3A_373 = arith.addf %add3A_367, %get3A_372 : vector<16xf32>
      %get3A_374 = arith.constant 7 : i32
      %get3A_375 = arith.index_cast %get3A_374 : i32 to index
      %get3A_376 = arith.constant 96 : index
      %get3A_377 = tpu.vector_load %arg6[%get3A_375, %get3A_376] {strides = array<i32>} : memref<8x128xf32, #tpu.memory_space<vmem>>, vector<1x16xf32>,
      %get3A_378 = vector.shape_cast %get3A_377 : vector<1x16xf32> to vector<16xf32>
      %add3A_379 = arith.addf %add3A_373, %get3A_378 : vector<16xf32>
      %swap3A_380 = arith.constant 96 : index
      %swap3A_381 = tpu.vector_load %arg7[%swap3A_380] {strides = array<i32>} : memref<128xf32, #tpu.memory_space<vmem>>, vector<16xf32>,
      %swap3A_382 = vector.shape_cast %swap3A_381 : vector<16xf32> to vector<16xf32>
      %swap3A_383 = vector.shape_cast %add3A_379 : vector<16xf32> to vector<16xf32>
      tpu.vector_store %arg7[%swap3A_380], %swap3A_383 {strides = array<i32>} : memref<128xf32, #tpu.memory_space<vmem>>, vector<16xf32>,
      %broadcast_in_dim3A_384 = arith.constant 0.000000e+00 : f32
      %broadcast_in_dim3A_385 = vector.broadcast %broadcast_in_dim3A_384 : f32 to vector<16xf32>
      %get3A_386 = arith.constant 0 : i32
      %get3A_387 = arith.index_cast %get3A_386 : i32 to index
      %get3A_388 = arith.constant 112 : index
      %get3A_389 = tpu.vector_load %arg6[%get3A_387, %get3A_388] {strides = array<i32>} : memref<8x128xf32, #tpu.memory_space<vmem>>, vector<1x16xf32>,
      %get3A_390 = vector.shape_cast %get3A_389 : vector<1x16xf32> to vector<16xf32>
      %add3A_391 = arith.addf %broadcast_in_dim3A_385, %get3A_390 : vector<16xf32>
      %get3A_392 = arith.constant 1 : i32
      %get3A_393 = arith.index_cast %get3A_392 : i32 to index
      %get3A_394 = arith.constant 112 : index
      %get3A_395 = tpu.vector_load %arg6[%get3A_393, %get3A_394] {strides = array<i32>} : memref<8x128xf32, #tpu.memory_space<vmem>>, vector<1x16xf32>,
      %get3A_396 = vector.shape_cast %get3A_395 : vector<1x16xf32> to vector<16xf32>
      %add3A_397 = arith.addf %add3A_391, %get3A_396 : vector<16xf32>
      %get3A_398 = arith.constant 2 : i32
      %get3A_399 = arith.index_cast %get3A_398 : i32 to index
      %get3A_400 = arith.constant 112 : index
      %get3A_401 = tpu.vector_load %arg6[%get3A_399, %get3A_400] {strides = array<i32>} : memref<8x128xf32, #tpu.memory_space<vmem>>, vector<1x16xf32>,
      %get3A_402 = vector.shape_cast %get3A_401 : vector<1x16xf32> to vector<16xf32>
      %add3A_403 = arith.addf %add3A_397, %get3A_402 : vector<16xf32>
      %get3A_404 = arith.constant 3 : i32
      %get3A_405 = arith.index_cast %get3A_404 : i32 to index
      %get3A_406 = arith.constant 112 : index
      %get3A_407 = tpu.vector_load %arg6[%get3A_405, %get3A_406] {strides = array<i32>} : memref<8x128xf32, #tpu.memory_space<vmem>>, vector<1x16xf32>,
      %get3A_408 = vector.shape_cast %get3A_407 : vector<1x16xf32> to vector<16xf32>
      %add3A_409 = arith.addf %add3A_403, %get3A_408 : vector<16xf32>
      %get3A_410 = arith.constant 4 : i32
      %get3A_411 = arith.index_cast %get3A_410 : i32 to index
      %get3A_412 = arith.constant 112 : index
      %get3A_413 = tpu.vector_load %arg6[%get3A_411, %get3A_412] {strides = array<i32>} : memref<8x128xf32, #tpu.memory_space<vmem>>, vector<1x16xf32>,
      %get3A_414 = vector.shape_cast %get3A_413 : vector<1x16xf32> to vector<16xf32>
      %add3A_415 = arith.addf %add3A_409, %get3A_414 : vector<16xf32>
      %get3A_416 = arith.constant 5 : i32
      %get3A_417 = arith.index_cast %get3A_416 : i32 to index
      %get3A_418 = arith.constant 112 : index
      %get3A_419 = tpu.vector_load %arg6[%get3A_417, %get3A_418] {strides = array<i32>} : memref<8x128xf32, #tpu.memory_space<vmem>>, vector<1x16xf32>,
      %get3A_420 = vector.shape_cast %get3A_419 : vector<1x16xf32> to vector<16xf32>
      %add3A_421 = arith.addf %add3A_415, %get3A_420 : vector<16xf32>
      %get3A_422 = arith.constant 6 : i32
      %get3A_423 = arith.index_cast %get3A_422 : i32 to index
      %get3A_424 = arith.constant 112 : index
      %get3A_425 = tpu.vector_load %arg6[%get3A_423, %get3A_424] {strides = array<i32>} : memref<8x128xf32, #tpu.memory_space<vmem>>, vector<1x16xf32>,
      %get3A_426 = vector.shape_cast %get3A_425 : vector<1x16xf32> to vector<16xf32>
      %add3A_427 = arith.addf %add3A_421, %get3A_426 : vector<16xf32>
      %get3A_428 = arith.constant 7 : i32
      %get3A_429 = arith.index_cast %get3A_428 : i32 to index
      %get3A_430 = arith.constant 112 : index
      %get3A_431 = tpu.vector_load %arg6[%get3A_429, %get3A_430] {strides = array<i32>} : memref<8x128xf32, #tpu.memory_space<vmem>>, vector<1x16xf32>,
      %get3A_432 = vector.shape_cast %get3A_431 : vector<1x16xf32> to vector<16xf32>
      %add3A_433 = arith.addf %add3A_427, %get3A_432 : vector<16xf32>
      %swap3A_434 = arith.constant 112 : index
      %swap3A_435 = tpu.vector_load %arg7[%swap3A_434] {strides = array<i32>} : memref<128xf32, #tpu.memory_space<vmem>>, vector<16xf32>,
      %swap3A_436 = vector.shape_cast %swap3A_435 : vector<16xf32> to vector<16xf32>
      %swap3A_437 = vector.shape_cast %add3A_433 : vector<16xf32> to vector<16xf32>
      tpu.vector_store %arg7[%swap3A_434], %swap3A_437 {strides = array<i32>} : memref<128xf32, #tpu.memory_space<vmem>>, vector<16xf32>,
      "tpu.region"() ({
        %run_scoped3A = tpu.sem_alloc : memref<!tpu.dma_semaphore, #tpu.memory_space<semaphore_mem>>
        %dma_start3A_438 = arith.constant 0 : i32
        %dma_start3A_439 = tpu.memref_slice %arg4[%add3A, %dma_start3A_438] : memref<25x128xf32, #tpu.memory_space<hbm>> -> memref<1x128xf32, #tpu.memory_space<hbm>>
        %dma_start3A_440 = tpu.memref_squeeze %dma_start3A_439 : memref<1x128xf32, #tpu.memory_space<hbm>> -> memref<128xf32, #tpu.memory_space<hbm>>
        %dma_start3A_441 = arith.constant 0 : i32
        %dma_start3A_442 = tpu.memref_slice %arg4[%add3A, %dma_start3A_441] : memref<25x128xf32, #tpu.memory_space<hbm>> -> memref<1x128xf32, #tpu.memory_space<hbm>>
        %dma_start3A_443 = tpu.memref_squeeze %dma_start3A_442 : memref<1x128xf32, #tpu.memory_space<hbm>> -> memref<128xf32, #tpu.memory_space<hbm>>
        tpu.enqueue_dma source(%arg7 : memref<128xf32, #tpu.memory_space<vmem>>) target(%dma_start3A_443 : memref<128xf32, #tpu.memory_space<hbm>>) target_semaphore(%run_scoped3A : memref<!tpu.dma_semaphore, #tpu.memory_space<semaphore_mem>>)
        %dma_wait3A_444 = arith.constant 0 : i32
        %dma_wait3A_445 = tpu.memref_slice %arg4[%add3A, %dma_wait3A_444] : memref<25x128xf32, #tpu.memory_space<hbm>> -> memref<1x128xf32, #tpu.memory_space<hbm>>
        %dma_wait3A_446 = tpu.memref_squeeze %dma_wait3A_445 : memref<1x128xf32, #tpu.memory_space<hbm>> -> memref<128xf32, #tpu.memory_space<hbm>>
        %dma_wait3A_447 = arith.constant 0 : i32
        %dma_wait3A_448 = tpu.memref_slice %arg4[%add3A, %dma_wait3A_447] : memref<25x128xf32, #tpu.memory_space<hbm>> -> memref<1x128xf32, #tpu.memory_space<hbm>>
        %dma_wait3A_449 = tpu.memref_squeeze %dma_wait3A_448 : memref<1x128xf32, #tpu.memory_space<hbm>> -> memref<128xf32, #tpu.memory_space<hbm>>
        tpu.wait_dma2 semaphore(%run_scoped3A : memref<!tpu.dma_semaphore, #tpu.memory_space<semaphore_mem>>) src(%arg7 : memref<128xf32, #tpu.memory_space<vmem>>) dst(%dma_wait3A_449 : memref<128xf32, #tpu.memory_space<hbm>>)
        tpu.yield
      }) : () -> ()
    } else {
    }
    return
  }
}

module attributes {stable_mosaic.version = 14 : i64} {
  func.func @_logits_body(%arg0: memref<25x128xf32, #tpu.memory_space<vmem>>, %arg1: memref<128x128xf32, #tpu.memory_space<vmem>>, %arg2: memref<128x128xf32, #tpu.memory_space<vmem>>, %arg3: memref<1x128xf32, #tpu.memory_space<vmem>>, %arg4: memref<1000000x128xf32, #tpu.memory_space<any>>, %arg5: memref<125x8000xf32, #tpu.memory_space<any>>, %arg6: memref<125x8000xf32, #tpu.memory_space<any>>, %arg7: memref<1x1xf32, #tpu.memory_space<smem>>, %arg8: memref<4x8000x128xf32, #tpu.memory_space<vmem>>, %arg9: memref<125x8000xf32, #tpu.memory_space<vmem>>, %arg10: memref<4x1x8000xf32, #tpu.memory_space<vmem>>, %arg11: memref<4x!tpu.dma_semaphore, #tpu.memory_space<semaphore_mem>>, %arg12: memref<!tpu.dma_semaphore, #tpu.memory_space<semaphore_mem>>, %arg13: memref<4x!tpu.dma_semaphore, #tpu.memory_space<semaphore_mem>>, %arg14: memref<1xf32, #tpu.memory_space<smem>>, %arg15: memref<1xf32, #tpu.memory_space<smem>>) attributes {dimension_semantics = [], scalar_prefetch = 0 : i64, scratch_operands = 8 : i64, tpu.core_type = #tpu.core_type<tc>} {
    %get3A = arith.constant 0 : index
    %get3A_0 = arith.constant 0 : index
    %get3A_1 = vector.load %arg0[%get3A, %get3A_0] : memref<25x128xf32, #tpu.memory_space<vmem>>, vector<25x128xf32>
    %reduce_sum3A = arith.constant dense<0.000000e+00> : vector<128xf32>
    %reduce_sum3A_2 = vector.multi_reduction <add>, %get3A_1, %reduce_sum3A [0] : vector<25x128xf32> to vector<128xf32>
    %broadcast_in_dim3A = vector.shape_cast %reduce_sum3A_2 : vector<128xf32> to vector<1x128xf32>
    %get3A_3 = arith.constant 0 : index
    %get3A_4 = arith.constant 0 : index
    %get3A_5 = vector.load %arg1[%get3A_3, %get3A_4] : memref<128x128xf32, #tpu.memory_space<vmem>>, vector<128x128xf32>
    %dot_general3A = arith.constant dense<0.000000e+00> : vector<1x128xf32>
    %dot_general3A_6 = tpu.matmul %broadcast_in_dim3A, %get3A_5, %dot_general3A {dimension_numbers = #tpu.dot_dimension_numbers<[1], [1], [0], [0], [0, 0, 1, 0], [], []>, transpose_lhs_hint = false} : vector<1x128xf32>, vector<128x128xf32>, vector<1x128xf32> -> vector<1x128xf32>
    %get3A_7 = arith.constant 0 : index
    %get3A_8 = arith.constant 0 : index
    %get3A_9 = vector.load %arg2[%get3A_7, %get3A_8] : memref<128x128xf32, #tpu.memory_space<vmem>>, vector<128x128xf32>
    %dot_general3A_10 = arith.constant dense<0.000000e+00> : vector<1x128xf32>
    %dot_general3A_11 = tpu.matmul %dot_general3A_6, %get3A_9, %dot_general3A_10 {dimension_numbers = #tpu.dot_dimension_numbers<[1], [1], [0], [0], [0, 0, 1, 0], [], []>, transpose_lhs_hint = false} : vector<1x128xf32>, vector<128x128xf32>, vector<1x128xf32> -> vector<1x128xf32>
    %get3A_12 = arith.constant 0 : index
    %get3A_13 = arith.constant 0 : index
    %get3A_14 = vector.load %arg3[%get3A_12, %get3A_13] : memref<1x128xf32, #tpu.memory_space<vmem>>, vector<1x128xf32>
    %add3A = arith.addf %dot_general3A_11, %get3A_14 : vector<1x128xf32>
    %max3A = arith.constant 0.000000e+00 : f32
    %max3A_15 = vector.broadcast %max3A : f32 to vector<1x128xf32>
    %max3A_16 = arith.maximumf %add3A, %max3A_15 : vector<1x128xf32>
    %convert_element_type3A = arith.truncf %max3A_16 : vector<1x128xf32> to vector<1x128xbf16>
    %swap3A = arith.constant 0xFF800000 : f32
    %swap3A_17 = arith.constant 0 : index
    %swap3A_18 = memref.load %arg14[%swap3A_17] : memref<1xf32, #tpu.memory_space<smem>>
    memref.store %swap3A, %arg14[%swap3A_17] : memref<1xf32, #tpu.memory_space<smem>>
    %swap3A_19 = arith.constant 0.000000e+00 : f32
    %swap3A_20 = arith.constant 0 : index
    %swap3A_21 = memref.load %arg15[%swap3A_20] : memref<1xf32, #tpu.memory_space<smem>>
    memref.store %swap3A_19, %arg15[%swap3A_20] : memref<1xf32, #tpu.memory_space<smem>>
    tpu.enqueue_dma source(%arg5 : memref<125x8000xf32, #tpu.memory_space<any>>) target(%arg9 : memref<125x8000xf32, #tpu.memory_space<vmem>>) target_semaphore(%arg12 : memref<!tpu.dma_semaphore, #tpu.memory_space<semaphore_mem>>)
    %dma_start3A = arith.constant 0 : i32
    %dma_start3A_22 = arith.constant 0 : i32
    %dma_start3A_23 = tpu.memref_slice %arg11[%dma_start3A_22] : memref<4x!tpu.dma_semaphore, #tpu.memory_space<semaphore_mem>> -> memref<1x!tpu.dma_semaphore, #tpu.memory_space<semaphore_mem>>
    %dma_start3A_24 = tpu.memref_squeeze %dma_start3A_23 : memref<1x!tpu.dma_semaphore, #tpu.memory_space<semaphore_mem>> -> memref<!tpu.dma_semaphore, #tpu.memory_space<semaphore_mem>>
    %dma_start3A_25 = arith.constant 0 : i32
    %dma_start3A_26 = arith.constant 0 : i32
    %dma_start3A_27 = tpu.memref_slice %arg8[%dma_start3A, %dma_start3A_25, %dma_start3A_26] : memref<4x8000x128xf32, #tpu.memory_space<vmem>> -> memref<1x8000x128xf32, #tpu.memory_space<vmem>>
    %dma_start3A_28 = tpu.memref_squeeze %dma_start3A_27 : memref<1x8000x128xf32, #tpu.memory_space<vmem>> -> memref<8000x128xf32, #tpu.memory_space<vmem>>
    %dma_start3A_29 = arith.constant 0 : i32
    %dma_start3A_30 = arith.constant 0 : i32
    %dma_start3A_31 = tpu.memref_slice %arg4[%dma_start3A_29, %dma_start3A_30] : memref<1000000x128xf32, #tpu.memory_space<any>> -> memref<8000x128xf32, #tpu.memory_space<any>>
    tpu.enqueue_dma source(%dma_start3A_31 : memref<8000x128xf32, #tpu.memory_space<any>>) target(%dma_start3A_28 : memref<8000x128xf32, #tpu.memory_space<vmem>>) target_semaphore(%dma_start3A_24 : memref<!tpu.dma_semaphore, #tpu.memory_space<semaphore_mem>>)
    %dma_start3A_32 = arith.constant 1 : i32
    %dma_start3A_33 = arith.constant 1 : i32
    %dma_start3A_34 = tpu.memref_slice %arg11[%dma_start3A_33] : memref<4x!tpu.dma_semaphore, #tpu.memory_space<semaphore_mem>> -> memref<1x!tpu.dma_semaphore, #tpu.memory_space<semaphore_mem>>
    %dma_start3A_35 = tpu.memref_squeeze %dma_start3A_34 : memref<1x!tpu.dma_semaphore, #tpu.memory_space<semaphore_mem>> -> memref<!tpu.dma_semaphore, #tpu.memory_space<semaphore_mem>>
    %dma_start3A_36 = arith.constant 0 : i32
    %dma_start3A_37 = arith.constant 0 : i32
    %dma_start3A_38 = tpu.memref_slice %arg8[%dma_start3A_32, %dma_start3A_36, %dma_start3A_37] : memref<4x8000x128xf32, #tpu.memory_space<vmem>> -> memref<1x8000x128xf32, #tpu.memory_space<vmem>>
    %dma_start3A_39 = tpu.memref_squeeze %dma_start3A_38 : memref<1x8000x128xf32, #tpu.memory_space<vmem>> -> memref<8000x128xf32, #tpu.memory_space<vmem>>
    %dma_start3A_40 = arith.constant 8000 : i32
    %dma_start3A_41 = arith.constant 0 : i32
    %dma_start3A_42 = tpu.memref_slice %arg4[%dma_start3A_40, %dma_start3A_41] : memref<1000000x128xf32, #tpu.memory_space<any>> -> memref<8000x128xf32, #tpu.memory_space<any>>
    tpu.enqueue_dma source(%dma_start3A_42 : memref<8000x128xf32, #tpu.memory_space<any>>) target(%dma_start3A_39 : memref<8000x128xf32, #tpu.memory_space<vmem>>) target_semaphore(%dma_start3A_35 : memref<!tpu.dma_semaphore, #tpu.memory_space<semaphore_mem>>)
    %dma_start3A_43 = arith.constant 2 : i32
    %dma_start3A_44 = arith.constant 2 : i32
    %dma_start3A_45 = tpu.memref_slice %arg11[%dma_start3A_44] : memref<4x!tpu.dma_semaphore, #tpu.memory_space<semaphore_mem>> -> memref<1x!tpu.dma_semaphore, #tpu.memory_space<semaphore_mem>>
    %dma_start3A_46 = tpu.memref_squeeze %dma_start3A_45 : memref<1x!tpu.dma_semaphore, #tpu.memory_space<semaphore_mem>> -> memref<!tpu.dma_semaphore, #tpu.memory_space<semaphore_mem>>
    %dma_start3A_47 = arith.constant 0 : i32
    %dma_start3A_48 = arith.constant 0 : i32
    %dma_start3A_49 = tpu.memref_slice %arg8[%dma_start3A_43, %dma_start3A_47, %dma_start3A_48] : memref<4x8000x128xf32, #tpu.memory_space<vmem>> -> memref<1x8000x128xf32, #tpu.memory_space<vmem>>
    %dma_start3A_50 = tpu.memref_squeeze %dma_start3A_49 : memref<1x8000x128xf32, #tpu.memory_space<vmem>> -> memref<8000x128xf32, #tpu.memory_space<vmem>>
    %dma_start3A_51 = arith.constant 16000 : i32
    %dma_start3A_52 = arith.constant 0 : i32
    %dma_start3A_53 = tpu.memref_slice %arg4[%dma_start3A_51, %dma_start3A_52] : memref<1000000x128xf32, #tpu.memory_space<any>> -> memref<8000x128xf32, #tpu.memory_space<any>>
    tpu.enqueue_dma source(%dma_start3A_53 : memref<8000x128xf32, #tpu.memory_space<any>>) target(%dma_start3A_50 : memref<8000x128xf32, #tpu.memory_space<vmem>>) target_semaphore(%dma_start3A_46 : memref<!tpu.dma_semaphore, #tpu.memory_space<semaphore_mem>>)
    tpu.wait_dma2 semaphore(%arg12 : memref<!tpu.dma_semaphore, #tpu.memory_space<semaphore_mem>>) src(%arg5 : memref<125x8000xf32, #tpu.memory_space<any>>) dst(%arg9 : memref<125x8000xf32, #tpu.memory_space<vmem>>)
    %scan3A = arith.constant 0 : i32
    %scan3A_54 = arith.constant 125 : i32
    %scan3A_55 = arith.addi %scan3A, %scan3A_54 : i32
    %scan3A_56 = arith.constant 1 : i32
    scf.for %scan3A_109 = %scan3A to %scan3A_55 step %scan3A_56  : i32 {
      %rem3A = arith.constant 4 : i32
      %rem3A_110 = arith.remsi %scan3A_109, %rem3A : i32
      %add3A_111 = arith.constant 4 : i32
      %add3A_112 = arith.addi %scan3A_109, %add3A_111 : i32
      %sub3A = arith.constant 1 : i32
      %sub3A_113 = arith.subi %add3A_112, %sub3A : i32
      %lt3A = arith.constant 125 : i32
      %lt3A_114 = arith.cmpi slt, %sub3A_113, %lt3A : i32
      %convert_element_type3A_115 = arith.extui %lt3A_114 : i1 to i32
      %cond3A = arith.constant 0 : i32
      %cond3A_116 = arith.cmpi ne, %convert_element_type3A_115, %cond3A : i32
      scf.if %cond3A_116 {
        %rem3A_182 = arith.constant 4 : i32
        %rem3A_183 = arith.remsi %sub3A_113, %rem3A_182 : i32
        %mul3A_184 = arith.constant 8000 : i32
        %mul3A_185 = arith.muli %sub3A_113, %mul3A_184 : i32
        %dma_start3A_186 = tpu.memref_slice %arg11[%rem3A_183] : memref<4x!tpu.dma_semaphore, #tpu.memory_space<semaphore_mem>> -> memref<1x!tpu.dma_semaphore, #tpu.memory_space<semaphore_mem>>
        %dma_start3A_187 = tpu.memref_squeeze %dma_start3A_186 : memref<1x!tpu.dma_semaphore, #tpu.memory_space<semaphore_mem>> -> memref<!tpu.dma_semaphore, #tpu.memory_space<semaphore_mem>>
        %dma_start3A_188 = arith.constant 0 : i32
        %dma_start3A_189 = arith.constant 0 : i32
        %dma_start3A_190 = tpu.memref_slice %arg8[%rem3A_183, %dma_start3A_188, %dma_start3A_189] : memref<4x8000x128xf32, #tpu.memory_space<vmem>> -> memref<1x8000x128xf32, #tpu.memory_space<vmem>>
        %dma_start3A_191 = tpu.memref_squeeze %dma_start3A_190 : memref<1x8000x128xf32, #tpu.memory_space<vmem>> -> memref<8000x128xf32, #tpu.memory_space<vmem>>
        %dma_start3A_192 = arith.constant 0 : i32
        %dma_start3A_193 = tpu.memref_slice %arg4[%mul3A_185, %dma_start3A_192] : memref<1000000x128xf32, #tpu.memory_space<any>> -> memref<8000x128xf32, #tpu.memory_space<any>>
        tpu.enqueue_dma source(%dma_start3A_193 : memref<8000x128xf32, #tpu.memory_space<any>>) target(%dma_start3A_191 : memref<8000x128xf32, #tpu.memory_space<vmem>>) target_semaphore(%dma_start3A_187 : memref<!tpu.dma_semaphore, #tpu.memory_space<semaphore_mem>>)
      } else {
      }
      %mul3A = arith.constant 8000 : i32
      %mul3A_117 = arith.muli %scan3A_109, %mul3A : i32
      %dma_wait3A_118 = tpu.memref_slice %arg11[%rem3A_110] : memref<4x!tpu.dma_semaphore, #tpu.memory_space<semaphore_mem>> -> memref<1x!tpu.dma_semaphore, #tpu.memory_space<semaphore_mem>>
      %dma_wait3A_119 = tpu.memref_squeeze %dma_wait3A_118 : memref<1x!tpu.dma_semaphore, #tpu.memory_space<semaphore_mem>> -> memref<!tpu.dma_semaphore, #tpu.memory_space<semaphore_mem>>
      %dma_wait3A_120 = arith.constant 0 : i32
      %dma_wait3A_121 = arith.constant 0 : i32
      %dma_wait3A_122 = tpu.memref_slice %arg8[%rem3A_110, %dma_wait3A_120, %dma_wait3A_121] : memref<4x8000x128xf32, #tpu.memory_space<vmem>> -> memref<1x8000x128xf32, #tpu.memory_space<vmem>>
      %dma_wait3A_123 = tpu.memref_squeeze %dma_wait3A_122 : memref<1x8000x128xf32, #tpu.memory_space<vmem>> -> memref<8000x128xf32, #tpu.memory_space<vmem>>
      %dma_wait3A_124 = arith.constant 0 : i32
      %dma_wait3A_125 = tpu.memref_slice %arg4[%mul3A_117, %dma_wait3A_124] : memref<1000000x128xf32, #tpu.memory_space<any>> -> memref<8000x128xf32, #tpu.memory_space<any>>
      tpu.wait_dma2 semaphore(%dma_wait3A_119 : memref<!tpu.dma_semaphore, #tpu.memory_space<semaphore_mem>>) src(%dma_wait3A_125 : memref<8000x128xf32, #tpu.memory_space<any>>) dst(%dma_wait3A_123 : memref<8000x128xf32, #tpu.memory_space<vmem>>)
      %get3A_126 = arith.index_cast %rem3A_110 : i32 to index
      %get3A_127 = arith.constant 0 : index
      %get3A_128 = arith.constant 0 : index
      %get3A_129 = vector.load %arg8[%get3A_126, %get3A_127, %get3A_128] : memref<4x8000x128xf32, #tpu.memory_space<vmem>>, vector<1x8000x128xf32>
      %get3A_130 = vector.shape_cast %get3A_129 : vector<1x8000x128xf32> to vector<8000x128xf32>
      %convert_element_type3A_131 = arith.truncf %get3A_130 : vector<8000x128xf32> to vector<8000x128xbf16>
      %dot_general3A_132 = arith.constant dense<0.000000e+00> : vector<1x8000xf32>
      %dot_general3A_133 = tpu.matmul %convert_element_type3A, %convert_element_type3A_131, %dot_general3A_132 {dimension_numbers = #tpu.dot_dimension_numbers<[1], [1], [0], [0], [0, 0, 1, 0], [], []>, transpose_lhs_hint = false} : vector<1x128xbf16>, vector<8000x128xbf16>, vector<1x8000xf32> -> vector<1x8000xf32>
      %get3A_134 = arith.index_cast %scan3A_109 : i32 to index
      %get3A_135 = arith.constant 0 : index
      %get3A_136 = vector.load %arg9[%get3A_134, %get3A_135] : memref<125x8000xf32, #tpu.memory_space<vmem>>, vector<1x8000xf32>
      %add3A_137 = arith.addf %dot_general3A_133, %get3A_136 : vector<1x8000xf32>
      %get3A_138 = arith.constant 0 : index
      %get3A_139 = memref.load %arg14[%get3A_138] : memref<1xf32, #tpu.memory_space<smem>>
      %reduce_max3A = vector.shape_cast %add3A_137 : vector<1x8000xf32> to vector<1x1x8000xf32>
      %reduce_max3A_140 = arith.constant dense<0xFF800000> : vector<1xf32>
      %reduce_max3A_141 = vector.multi_reduction <maximumf>, %reduce_max3A, %reduce_max3A_140 [1, 2] : vector<1x1x8000xf32> to vector<1xf32>
      %reduce_max3A_142 = vector.shape_cast %reduce_max3A_141 : vector<1xf32> to vector<1x1x1xf32>
      %reduce_max3A_143 = vector.extract %reduce_max3A_142[0, 0, 0] : f32 from vector<1x1x1xf32>
      %max3A_144 = arith.maximumf %get3A_139, %reduce_max3A_143 : f32
      %get3A_145 = arith.constant 0 : index
      %get3A_146 = memref.load %arg15[%get3A_145] : memref<1xf32, #tpu.memory_space<smem>>
      %sub3A_147 = arith.subf %get3A_139, %max3A_144 : f32
      %exp3A = math.exp %sub3A_147 : f32
      %mul3A_148 = arith.mulf %get3A_146, %exp3A : f32
      %sub3A_149 = vector.broadcast %max3A_144 : f32 to vector<1x8000xf32>
      %sub3A_150 = arith.subf %add3A_137, %sub3A_149 : vector<1x8000xf32>
      %exp3A_151 = math.exp %sub3A_150 : vector<1x8000xf32>
      %reduce_sum3A_152 = vector.shape_cast %exp3A_151 : vector<1x8000xf32> to vector<1x1x8000xf32>
      %reduce_sum3A_153 = arith.constant dense<0.000000e+00> : vector<1xf32>
      %reduce_sum3A_154 = vector.multi_reduction <add>, %reduce_sum3A_152, %reduce_sum3A_153 [1, 2] : vector<1x1x8000xf32> to vector<1xf32>
      %reduce_sum3A_155 = vector.shape_cast %reduce_sum3A_154 : vector<1xf32> to vector<1x1x1xf32>
      %reduce_sum3A_156 = vector.extract %reduce_sum3A_155[0, 0, 0] : f32 from vector<1x1x1xf32>
      %add3A_157 = arith.addf %mul3A_148, %reduce_sum3A_156 : f32
      %swap3A_158 = arith.constant 0 : index
      %swap3A_159 = memref.load %arg15[%swap3A_158] : memref<1xf32, #tpu.memory_space<smem>>
      memref.store %add3A_157, %arg15[%swap3A_158] : memref<1xf32, #tpu.memory_space<smem>>
      %swap3A_160 = arith.constant 0 : index
      %swap3A_161 = memref.load %arg14[%swap3A_160] : memref<1xf32, #tpu.memory_space<smem>>
      memref.store %max3A_144, %arg14[%swap3A_160] : memref<1xf32, #tpu.memory_space<smem>>
      %rem3A_162 = arith.constant 4 : i32
      %rem3A_163 = arith.remsi %scan3A_109, %rem3A_162 : i32
      %ge3A = arith.constant 4 : i32
      %ge3A_164 = arith.cmpi sge, %scan3A_109, %ge3A : i32
      %convert_element_type3A_165 = arith.extui %ge3A_164 : i1 to i32
      %cond3A_166 = arith.constant 0 : i32
      %cond3A_167 = arith.cmpi ne, %convert_element_type3A_165, %cond3A_166 : i32
      scf.if %cond3A_167 {
        %sub3A_182 = arith.constant 4 : i32
        %sub3A_183 = arith.subi %scan3A_109, %sub3A_182 : i32
        %dma_wait3A_184 = tpu.memref_slice %arg13[%rem3A_163] : memref<4x!tpu.dma_semaphore, #tpu.memory_space<semaphore_mem>> -> memref<1x!tpu.dma_semaphore, #tpu.memory_space<semaphore_mem>>
        %dma_wait3A_185 = tpu.memref_squeeze %dma_wait3A_184 : memref<1x!tpu.dma_semaphore, #tpu.memory_space<semaphore_mem>> -> memref<!tpu.dma_semaphore, #tpu.memory_space<semaphore_mem>>
        %dma_wait3A_186 = arith.constant 0 : i32
        %dma_wait3A_187 = tpu.memref_slice %arg6[%sub3A_183, %dma_wait3A_186] : memref<125x8000xf32, #tpu.memory_space<any>> -> memref<1x8000xf32, #tpu.memory_space<any>>
        %dma_wait3A_188 = arith.constant 0 : i32
        %dma_wait3A_189 = arith.constant 0 : i32
        %dma_wait3A_190 = tpu.memref_slice %arg10[%rem3A_163, %dma_wait3A_188, %dma_wait3A_189] : memref<4x1x8000xf32, #tpu.memory_space<vmem>> -> memref<1x1x8000xf32, #tpu.memory_space<vmem>>
        %dma_wait3A_191 = tpu.memref_squeeze %dma_wait3A_190 : memref<1x1x8000xf32, #tpu.memory_space<vmem>> -> memref<1x8000xf32, #tpu.memory_space<vmem>>
        tpu.wait_dma2 semaphore(%dma_wait3A_185 : memref<!tpu.dma_semaphore, #tpu.memory_space<semaphore_mem>>) src(%dma_wait3A_191 : memref<1x8000xf32, #tpu.memory_space<vmem>>) dst(%dma_wait3A_187 : memref<1x8000xf32, #tpu.memory_space<any>>)
      } else {
      }
      %swap3A_168 = arith.index_cast %rem3A_163 : i32 to index
      %swap3A_169 = arith.constant 0 : index
      %swap3A_170 = arith.constant 0 : index
      %swap3A_171 = vector.load %arg10[%swap3A_168, %swap3A_169, %swap3A_170] : memref<4x1x8000xf32, #tpu.memory_space<vmem>>, vector<1x1x8000xf32>
      %swap3A_172 = vector.shape_cast %swap3A_171 : vector<1x1x8000xf32> to vector<1x8000xf32>
      %swap3A_173 = vector.shape_cast %add3A_137 : vector<1x8000xf32> to vector<1x1x8000xf32>
      tpu.vector_store %arg10[%swap3A_168, %swap3A_169, %swap3A_170], %swap3A_173 {strides = array<i32>} : memref<4x1x8000xf32, #tpu.memory_space<vmem>>, vector<1x1x8000xf32>,
      %dma_start3A_174 = tpu.memref_slice %arg13[%rem3A_163] : memref<4x!tpu.dma_semaphore, #tpu.memory_space<semaphore_mem>> -> memref<1x!tpu.dma_semaphore, #tpu.memory_space<semaphore_mem>>
      %dma_start3A_175 = tpu.memref_squeeze %dma_start3A_174 : memref<1x!tpu.dma_semaphore, #tpu.memory_space<semaphore_mem>> -> memref<!tpu.dma_semaphore, #tpu.memory_space<semaphore_mem>>
      %dma_start3A_176 = arith.constant 0 : i32
      %dma_start3A_177 = tpu.memref_slice %arg6[%scan3A_109, %dma_start3A_176] : memref<125x8000xf32, #tpu.memory_space<any>> -> memref<1x8000xf32, #tpu.memory_space<any>>
      %dma_start3A_178 = arith.constant 0 : i32
      %dma_start3A_179 = arith.constant 0 : i32
      %dma_start3A_180 = tpu.memref_slice %arg10[%rem3A_163, %dma_start3A_178, %dma_start3A_179] : memref<4x1x8000xf32, #tpu.memory_space<vmem>> -> memref<1x1x8000xf32, #tpu.memory_space<vmem>>
      %dma_start3A_181 = tpu.memref_squeeze %dma_start3A_180 : memref<1x1x8000xf32, #tpu.memory_space<vmem>> -> memref<1x8000xf32, #tpu.memory_space<vmem>>
      tpu.enqueue_dma source(%dma_start3A_181 : memref<1x8000xf32, #tpu.memory_space<vmem>>) target(%dma_start3A_177 : memref<1x8000xf32, #tpu.memory_space<any>>) target_semaphore(%dma_start3A_175 : memref<!tpu.dma_semaphore, #tpu.memory_space<semaphore_mem>>)
    }
    %scan3A_57 = arith.constant 125 : i32
    %dma_wait3A = arith.constant 1 : i32
    %dma_wait3A_58 = arith.constant 1 : i32
    %dma_wait3A_59 = tpu.memref_slice %arg13[%dma_wait3A_58] : memref<4x!tpu.dma_semaphore, #tpu.memory_space<semaphore_mem>> -> memref<1x!tpu.dma_semaphore, #tpu.memory_space<semaphore_mem>>
    %dma_wait3A_60 = tpu.memref_squeeze %dma_wait3A_59 : memref<1x!tpu.dma_semaphore, #tpu.memory_space<semaphore_mem>> -> memref<!tpu.dma_semaphore, #tpu.memory_space<semaphore_mem>>
    %dma_wait3A_61 = arith.constant 121 : i32
    %dma_wait3A_62 = arith.constant 0 : i32
    %dma_wait3A_63 = tpu.memref_slice %arg6[%dma_wait3A_61, %dma_wait3A_62] : memref<125x8000xf32, #tpu.memory_space<any>> -> memref<1x8000xf32, #tpu.memory_space<any>>
    %dma_wait3A_64 = arith.constant 0 : i32
    %dma_wait3A_65 = arith.constant 0 : i32
    %dma_wait3A_66 = tpu.memref_slice %arg10[%dma_wait3A, %dma_wait3A_64, %dma_wait3A_65] : memref<4x1x8000xf32, #tpu.memory_space<vmem>> -> memref<1x1x8000xf32, #tpu.memory_space<vmem>>
    %dma_wait3A_67 = tpu.memref_squeeze %dma_wait3A_66 : memref<1x1x8000xf32, #tpu.memory_space<vmem>> -> memref<1x8000xf32, #tpu.memory_space<vmem>>
    tpu.wait_dma2 semaphore(%dma_wait3A_60 : memref<!tpu.dma_semaphore, #tpu.memory_space<semaphore_mem>>) src(%dma_wait3A_67 : memref<1x8000xf32, #tpu.memory_space<vmem>>) dst(%dma_wait3A_63 : memref<1x8000xf32, #tpu.memory_space<any>>)
    %dma_wait3A_68 = arith.constant 2 : i32
    %dma_wait3A_69 = arith.constant 2 : i32
    %dma_wait3A_70 = tpu.memref_slice %arg13[%dma_wait3A_69] : memref<4x!tpu.dma_semaphore, #tpu.memory_space<semaphore_mem>> -> memref<1x!tpu.dma_semaphore, #tpu.memory_space<semaphore_mem>>
    %dma_wait3A_71 = tpu.memref_squeeze %dma_wait3A_70 : memref<1x!tpu.dma_semaphore, #tpu.memory_space<semaphore_mem>> -> memref<!tpu.dma_semaphore, #tpu.memory_space<semaphore_mem>>
    %dma_wait3A_72 = arith.constant 122 : i32
    %dma_wait3A_73 = arith.constant 0 : i32
    %dma_wait3A_74 = tpu.memref_slice %arg6[%dma_wait3A_72, %dma_wait3A_73] : memref<125x8000xf32, #tpu.memory_space<any>> -> memref<1x8000xf32, #tpu.memory_space<any>>
    %dma_wait3A_75 = arith.constant 0 : i32
    %dma_wait3A_76 = arith.constant 0 : i32
    %dma_wait3A_77 = tpu.memref_slice %arg10[%dma_wait3A_68, %dma_wait3A_75, %dma_wait3A_76] : memref<4x1x8000xf32, #tpu.memory_space<vmem>> -> memref<1x1x8000xf32, #tpu.memory_space<vmem>>
    %dma_wait3A_78 = tpu.memref_squeeze %dma_wait3A_77 : memref<1x1x8000xf32, #tpu.memory_space<vmem>> -> memref<1x8000xf32, #tpu.memory_space<vmem>>
    tpu.wait_dma2 semaphore(%dma_wait3A_71 : memref<!tpu.dma_semaphore, #tpu.memory_space<semaphore_mem>>) src(%dma_wait3A_78 : memref<1x8000xf32, #tpu.memory_space<vmem>>) dst(%dma_wait3A_74 : memref<1x8000xf32, #tpu.memory_space<any>>)
    %dma_wait3A_79 = arith.constant 3 : i32
    %dma_wait3A_80 = arith.constant 3 : i32
    %dma_wait3A_81 = tpu.memref_slice %arg13[%dma_wait3A_80] : memref<4x!tpu.dma_semaphore, #tpu.memory_space<semaphore_mem>> -> memref<1x!tpu.dma_semaphore, #tpu.memory_space<semaphore_mem>>
    %dma_wait3A_82 = tpu.memref_squeeze %dma_wait3A_81 : memref<1x!tpu.dma_semaphore, #tpu.memory_space<semaphore_mem>> -> memref<!tpu.dma_semaphore, #tpu.memory_space<semaphore_mem>>
    %dma_wait3A_83 = arith.constant 123 : i32
    %dma_wait3A_84 = arith.constant 0 : i32
    %dma_wait3A_85 = tpu.memref_slice %arg6[%dma_wait3A_83, %dma_wait3A_84] : memref<125x8000xf32, #tpu.memory_space<any>> -> memref<1x8000xf32, #tpu.memory_space<any>>
    %dma_wait3A_86 = arith.constant 0 : i32
    %dma_wait3A_87 = arith.constant 0 : i32
    %dma_wait3A_88 = tpu.memref_slice %arg10[%dma_wait3A_79, %dma_wait3A_86, %dma_wait3A_87] : memref<4x1x8000xf32, #tpu.memory_space<vmem>> -> memref<1x1x8000xf32, #tpu.memory_space<vmem>>
    %dma_wait3A_89 = tpu.memref_squeeze %dma_wait3A_88 : memref<1x1x8000xf32, #tpu.memory_space<vmem>> -> memref<1x8000xf32, #tpu.memory_space<vmem>>
    tpu.wait_dma2 semaphore(%dma_wait3A_82 : memref<!tpu.dma_semaphore, #tpu.memory_space<semaphore_mem>>) src(%dma_wait3A_89 : memref<1x8000xf32, #tpu.memory_space<vmem>>) dst(%dma_wait3A_85 : memref<1x8000xf32, #tpu.memory_space<any>>)
    %dma_wait3A_90 = arith.constant 0 : i32
    %dma_wait3A_91 = arith.constant 0 : i32
    %dma_wait3A_92 = tpu.memref_slice %arg13[%dma_wait3A_91] : memref<4x!tpu.dma_semaphore, #tpu.memory_space<semaphore_mem>> -> memref<1x!tpu.dma_semaphore, #tpu.memory_space<semaphore_mem>>
    %dma_wait3A_93 = tpu.memref_squeeze %dma_wait3A_92 : memref<1x!tpu.dma_semaphore, #tpu.memory_space<semaphore_mem>> -> memref<!tpu.dma_semaphore, #tpu.memory_space<semaphore_mem>>
    %dma_wait3A_94 = arith.constant 124 : i32
    %dma_wait3A_95 = arith.constant 0 : i32
    %dma_wait3A_96 = tpu.memref_slice %arg6[%dma_wait3A_94, %dma_wait3A_95] : memref<125x8000xf32, #tpu.memory_space<any>> -> memref<1x8000xf32, #tpu.memory_space<any>>
    %dma_wait3A_97 = arith.constant 0 : i32
    %dma_wait3A_98 = arith.constant 0 : i32
    %dma_wait3A_99 = tpu.memref_slice %arg10[%dma_wait3A_90, %dma_wait3A_97, %dma_wait3A_98] : memref<4x1x8000xf32, #tpu.memory_space<vmem>> -> memref<1x1x8000xf32, #tpu.memory_space<vmem>>
    %dma_wait3A_100 = tpu.memref_squeeze %dma_wait3A_99 : memref<1x1x8000xf32, #tpu.memory_space<vmem>> -> memref<1x8000xf32, #tpu.memory_space<vmem>>
    tpu.wait_dma2 semaphore(%dma_wait3A_93 : memref<!tpu.dma_semaphore, #tpu.memory_space<semaphore_mem>>) src(%dma_wait3A_100 : memref<1x8000xf32, #tpu.memory_space<vmem>>) dst(%dma_wait3A_96 : memref<1x8000xf32, #tpu.memory_space<any>>)
    %get3A_101 = arith.constant 0 : index
    %get3A_102 = memref.load %arg14[%get3A_101] : memref<1xf32, #tpu.memory_space<smem>>
    %get3A_103 = arith.constant 0 : index
    %get3A_104 = memref.load %arg15[%get3A_103] : memref<1xf32, #tpu.memory_space<smem>>
    %log3A = math.log %get3A_104 : f32
    %add3A_105 = arith.addf %get3A_102, %log3A : f32
    %swap3A_106 = arith.constant 0 : index
    %swap3A_107 = arith.constant 0 : index
    %swap3A_108 = memref.load %arg7[%swap3A_106, %swap3A_107] : memref<1x1xf32, #tpu.memory_space<smem>>
    memref.store %add3A_105, %arg7[%swap3A_106, %swap3A_107] : memref<1x1xf32, #tpu.memory_space<smem>>
    return
  }
}

module attributes {stable_mosaic.version = 14 : i64} {
  func.func @_norm_step(%arg0: i32, %arg1: memref<1x32768xf32, #tpu.memory_space<vmem>>, %arg2: memref<1x1xf32, #tpu.memory_space<smem>>, %arg3: memref<1x32768xf32, #tpu.memory_space<vmem>>) attributes {dimension_semantics = [#tpu.dimension_semantics<arbitrary>], iteration_bounds = array<i64: 31>, scalar_prefetch = 0 : i64, scratch_operands = 0 : i64, tpu.core_type = #tpu.core_type<tc>, window_params = [{transform_indices = @transform_0, window_bounds = array<i64: 1, 32768>}, {transform_indices = @transform_1, window_bounds = array<i64: 1, 1>}, {transform_indices = @transform_2, window_bounds = array<i64: 1, 32768>}]} {
    %get3A = arith.constant 0 : index
    %get3A_0 = arith.constant 0 : index
    %get3A_1 = vector.load %arg1[%get3A, %get3A_0] : memref<1x32768xf32, #tpu.memory_space<vmem>>, vector<1x32768xf32>
    %get3A_2 = arith.constant 0 : index
    %get3A_3 = arith.constant 0 : index
    %get3A_4 = memref.load %arg2[%get3A_2, %get3A_3] : memref<1x1xf32, #tpu.memory_space<smem>>
    %sub3A = vector.broadcast %get3A_4 : f32 to vector<1x32768xf32>
    %sub3A_5 = arith.subf %get3A_1, %sub3A : vector<1x32768xf32>
    %swap3A = arith.constant 0 : index
    %swap3A_6 = arith.constant 0 : index
    %swap3A_7 = vector.load %arg3[%swap3A, %swap3A_6] : memref<1x32768xf32, #tpu.memory_space<vmem>>, vector<1x32768xf32>
    tpu.vector_store %arg3[%swap3A, %swap3A_6], %sub3A_5 {strides = array<i32>} : memref<1x32768xf32, #tpu.memory_space<vmem>>, vector<1x32768xf32>,
    return
  }
  func.func @transform_0(%arg0: i32) -> (i32, i32) {
    %c0_i32 = arith.constant 0 : i32
    %c0_i32_0 = arith.constant 0 : i32
    return %c0_i32, %arg0 : i32, i32
  }
  func.func @transform_1(%arg0: i32) -> (i32, i32) {
    %c0_i32 = arith.constant 0 : i32
    %c0_i32_0 = arith.constant 0 : i32
    %c0_i32_1 = arith.constant 0 : i32
    return %c0_i32, %c0_i32_0 : i32, i32
  }
  func.func @transform_2(%arg0: i32) -> (i32, i32) {
    %c0_i32 = arith.constant 0 : i32
    %c0_i32_0 = arith.constant 0 : i32
    return %c0_i32, %arg0 : i32, i32
  }
}

</mosaic_0001>

<sc_bundles>
// kernel: kernel.5.cloned.1.call-start
scs
__scs_entry_jumppad:
0x0: {  	(pc) =	sbr.rel $0x88, $3  }
0x1: {  	(tag) =	ssettag $0x0;
	lr =	simm.s32 $0x1  }
0x2: {  	[smem:$0x3F9A] =	sst lr;
	_ =	strace $0xD0000000  }
0x3: {  	_ = 	snop  }
0x4: {  	_ = 	snop  }
0x5: {  	_ = 	snop  }
0x6: {  	_ = 	snop  }
0x7: {  	_ = 	snop  }
__scs_overlays_trampoline_lowered:
0x8: {  	[smem:$0x3FA9] =	sst s0  }
0x9: {  	[smem:$0x3FAA] =	sst s1  }
0xa: {  	[smem:$0x3FAB] =	sst s2  }
0xb: {  	[smem:$0x3FAC] =	sst s3  }
0xc: {  	[smem:$0x3FAD] =	sst s4  }
0xd: {  	[smem:$0x3FAE] =	sst s5  }
0xe: {  	[smem:$0x3FAF] =	sst s6  }
0xf: {  	[smem:$0x3FB0] =	sst s7  }
0x10: {  	[smem:$0x3FB1] =	sst s8  }
0x11: {  	[smem:$0x3FB2] =	sst s9;
	s0 =	simm.s32 @!p0 $0x0  }
0x12: {  	s1 =	sld [smem:$0x3F98];
	s0 =	simm.s32 @p0 $0x1  }
0x13: {  	[smem:$0x3FB3] =	sst s0;
	s0 =	simm.s32 @!p1 $0x0  }
0x14: {  	s2 =	sld [smem:$0x3F97];
	s0 =	simm.s32 @p1 $0x1  }
0x15: {  	[smem:$0x3FB4] =	sst s0;
	s0 =	simm.s32 @!p2 $0x0  }
0x16: {  	s3 =	sld [smem:$0x3FDB];
	s0 =	simm.s32 @p2 $0x1  }
0x17: {  	s4 =	simm.s32 $0x1BF5;
	[smem:$0x3FB6] =	sst s0  }
0x18: {  	s0 =	sld [smem:$0x3F99];
	_ =	swait.ge [sflag:s4], $0x0  }
0x19: {  	s7 =	sld [smem:$0x3F9A]  }
0x1a: {  	s8 =	sadd.s32 $0xFFFFE003, lr  }
0x1b: {  	s9 =	sadd.s32 $0xFFFFFEF7, lr;
	s5 =	simm.s32 $0xFFFFFFFF;
	p2 =	slt.u32 s8, $0xFFFFF086  }
0x1c: {  	p1 =	slt.u32 s9, $0xF7A;
	s5 =	simm.s32 @!p2 $0x0  }
0x1d: {  	s5 =	simm.s32 @p1 $0x1;
	p0 =	seq.s32 s7, s2  }
0x1e: {  	s7 =	smul.u32 @!p0 $0xF7A, s2;
	p2 =	seq.s32 @!p0 s5, $0x0  }
0x1f: {  	s9 =	smul.u32 $0xF7A, s1;
	s8 =	simm.s32 @!p0 $0x1BF5;
	p2 =	por !p2, p0  }
0x20: {  	[sflag:s8] =	ssyncset.s32 @!p0 $0xFFFFF086;
	s6 =	sadd.s32 @!p0 s3, s7;
	s7 =	simm.s32 @!p0 $0x108  }
0x21: {  	s3 =	sadd.s32 s3, s9;
	s6 =	sadd.s32 @!p0 $0x88, s6;
	s7 =	simm.s32 @p2 $0x1082  }
0x22: {  	[simem:s7], [sflag:s8] =	dma.local @!p0 [hbm:s6], $0xF7A  }
0x23: {  	s9 =	sor.u32 $0xD0000000, s2;
	s6 =	simm.s32 $0x108;
	_ =	swait.ge @!p0 [sflag:s8], $0x0  }
0x24: {  	s3 =	sadd.s32 $0x88, s3;
	s6 =	simm.s32 @!p1 $0x1082;
	[sflag:s4] =	ssyncset.s32 $0xFFFFF086  }
0x25: {  	[simem:s6], [sflag:s4] =	dma.local [hbm:s3], $0xF7A  }
0x26: {  	[smem:$0x3F9A] =	sst s1;
	(tag) =	ssettag s2;
	_ =	strace s9  }
0x27: {  	s1 =	sld [smem:$0x3FAA]  }
0x28: {  	s2 =	sld [smem:$0x3FAB]  }
0x29: {  	s4 =	sld [smem:$0x3FAD]  }
0x2a: {  	p0 =	seq.s32 s5, $0x0;
	s5 =	sld [smem:$0x3FAE]  }
0x2b: {  	s6 =	sld [smem:$0x3FAF]  }
0x2c: {  	s7 =	sld [smem:$0x3FB0]  }
0x2d: {  	s3 =	simm.s32 $0x108;
	s8 =	sld [smem:$0x3FB1]  }
0x2e: {  	s3 =	simm.s32 @!p0 $0x1082;
	s9 =	sld [smem:$0x3FB2]  }
0x2f: {  	lr =	sadd.s32 s0, s3;
	s0 =	sld [smem:$0x3FA9]  }
0x30: {  	s3 =	sld [smem:$0x3FAC]  }
0x31: {  	[smem:$0x3FB5] =	sst s10  }
0x32: {  	s10 =	sld [smem:$0x3FB3];
	_ =	sdelay $0x3  }
0x33: {  	p0 =	seq.s32 s10, $0x1;
	s10 =	sld [smem:$0x3FB5];
	_ =	sdelay $0x3  }
0x34: {  	[smem:$0x3FB5] =	sst s10  }
0x35: {  	s10 =	sld [smem:$0x3FB4];
	_ =	sdelay $0x3  }
0x36: {  	p1 =	seq.s32 s10, $0x1;
	s10 =	sld [smem:$0x3FB5];
	_ =	sdelay $0x3  }
0x37: {  	[smem:$0x3FB5] =	sst s10  }
0x38: {  	s10 =	sld [smem:$0x3FB6]  }
0x39: {  	_ = 	snop;
	(pc) =	sbr.ind lr, $3  }
0x3a: {  	_ = 	snop  }
0x3b: {  	_ = 	snop  }
0x3c: {  	p2 =	seq.s32 s10, $0x1;
	s10 =	sld [smem:$0x3FB5]  }
0x3d: {  	_ =	shalt  }
0x3e: {  	_ =	shalt  }
0x3f: {  	_ =	shalt  }
0x40: {  	_ =	shalt  }
0x41: {  	_ =	shalt  }
0x42: {  	_ =	shalt  }
0x43: {  	_ =	shalt  }
0x44: {  	_ =	shalt  }
0x45: {  	_ =	shalt  }
0x46: {  	_ =	shalt  }
0x47: {  	_ =	shalt  }
0x48: {  	_ =	shalt  }
0x49: {  	_ =	shalt  }
0x4a: {  	_ =	shalt  }
0x4b: {  	_ =	shalt  }
0x4c: {  	_ =	shalt  }
0x4d: {  	_ =	shalt  }
0x4e: {  	_ =	shalt  }
0x4f: {  	_ =	shalt  }
0x50: {  	_ =	shalt  }
0x51: {  	_ =	shalt  }
0x52: {  	_ =	shalt  }
0x53: {  	_ =	shalt  }
0x54: {  	_ =	shalt  }
0x55: {  	_ =	shalt  }
0x56: {  	_ =	shalt  }
0x57: {  	_ =	shalt  }
0x58: {  	_ =	shalt  }
0x59: {  	_ =	shalt  }
0x5a: {  	_ =	shalt  }
0x5b: {  	_ =	shalt  }
0x5c: {  	_ =	shalt  }
0x5d: {  	_ =	shalt  }
0x5e: {  	_ =	shalt  }
0x5f: {  	_ =	shalt  }
0x60: {  	_ =	shalt  }
0x61: {  	_ =	shalt  }
0x62: {  	_ =	shalt  }
0x63: {  	_ =	shalt  }
0x64: {  	_ =	shalt  }
0x65: {  	_ =	shalt  }
0x66: {  	_ =	shalt  }
0x67: {  	_ =	shalt  }
0x68: {  	_ =	shalt  }
0x69: {  	_ =	shalt  }
0x6a: {  	_ =	shalt  }
0x6b: {  	_ =	shalt  }
0x6c: {  	_ =	shalt  }
0x6d: {  	_ =	shalt  }
0x6e: {  	_ =	shalt  }
0x6f: {  	_ =	shalt  }
0x70: {  	_ =	shalt  }
0x71: {  	_ =	shalt  }
0x72: {  	_ =	shalt  }
0x73: {  	_ =	shalt  }
0x74: {  	_ =	shalt  }
0x75: {  	_ =	shalt  }
0x76: {  	_ =	shalt  }
0x77: {  	_ =	shalt  }
0x78: {  	_ =	shalt  }
0x79: {  	_ =	shalt  }
0x7a: {  	_ =	shalt  }
0x7b: {  	_ =	shalt  }
0x7c: {  	_ =	shalt  }
0x7d: {  	_ =	shalt  }
0x7e: {  	_ =	shalt  }
0x7f: {  	_ =	shalt  }
0x80: {  	_ =	shalt  }
0x81: {  	_ =	shalt  }
0x82: {  	_ =	shalt  }
0x83: {  	_ =	shalt  }
0x84: {  	_ =	shalt  }
0x85: {  	_ =	shalt  }
0x86: {  	_ =	shalt  }
0x87: {  	_ =	shalt  }
.Lfunc_end0:
.L_simem_size_0:
called_computation_lowered:
.L_overlay_start_0:
0x88: {  	s2 =	sld [smem:$0x3FD9]  }
0x89: {  	s3 =	sld [smem:$0x3FFE];
	_ =	sdelay $0x1  }
0x8a: {  	s1 =	srdreg.scid  }
0x8b: {  	s0 =	sand.u32 $0x1, s1  }
0x8c: {  	s18 =	sshll.u32 s0, $0xA;
	s2 =	sadd.s32 s3, s2  }
0x8d: {  	s2 =	sadd.s32 s2, s18  }
0x8e: {  	[smem:$0x3FC1] =	sst s2  }
0x8f: {  	_ = 	snop  }
0x90: {  	s2 =	sld [smem:$0x3FC9]  }
0x91: {  	s19 =	sld [smem:$0x3FC8]  }
0x92: {  	s4 =	sld [smem:$0x3FD0];
	(tm) =	ssettm $0x1  }
0x93: {  	s5 =	sld [smem:$0x3FFB];
	_ =	sdelay $0x3  }
0x94: {  	_ =	strace s5  }
0x95: {  	s5 =	sld [smem:$0x3FFC];
	_ =	sdelay $0x3  }
0x96: {  	_ =	strace s5  }
0x97: {  	s5 =	sld [smem:$0x3FFD];
	_ =	sdelay $0x3  }
0x98: {  	_ =	strace s5  }
0x99: {  	_ =	strace $0x8FFFFFFF  }
0x9a: {  	s20 =	sld [smem:$0x3FDB];
	_ =	sdelay $0x1  }
0x9b: {  	s6 =	simm.s32 $_scs_section_size  }
0x9c: {  	s7 =	simm.s32 $_size__tile_overlayer_lowered;
	s8 =	simm.s32 $_tile_overlayer_lowered  }
0x9d: {  	s23 =	simm.s32 $0x1BFF;
	s22 =	sshll.u32 s8, $0x1;
	s5 =	sadd.s32 s6, s20  }
0x9e: {  	s9 =	simm.s32 $0x0;
	s21 =	sshll.u32 s7, $0x1;
	s7 =	sadd.s32 s22, s5  }
0x9f: {  	[timem:s9], [sflag:s23] =	dma.local [hbm:s7], s21  }
0xa0: {  	_ =	swait.ge [sflag:s23], s21  }
0xa1: {  	s6 =	ssub.s32 $0x0, s21;
	[sflag:s23] =	ssyncset.done $0x0  }
0xa2: {  	[sflag:s23] =	ssyncadd.s32 s6;
	_ =	sdelay $0x1  }
0xa3: {  	s24 =	simm.s32 $0x1B8B  }
0xa4: {  	_ =	swait.ge [sflag:s24], $0x1  }
0xa5: {  	[sflag:s24] =	ssyncset.done $0x0  }
0xa6: {  	s25 =	simm.s32 $0x1B8E;
	[sflag:s24] =	ssyncadd.s32 $0xFFFFFFFF  }
0xa7: {  	s26 =	simm.s32 $execute0_lowered;
	[smem:$0x3FD2] =	sst s25  }
0xa8: {  	s6 =	sshll.u32 s26, $0x1;
	_ =	strace $0x80000046;
	[dreg:$0x1] =	wrdreg $0xFFFFFFFF  }
0xa9: {  	s28 =	simm.s32 $_size_execute0_lowered;
	s5 =	sadd.s32 s5, s6;
	[dreg:$0x0] =	wrdreg $0x0  }
0xaa: {  	s6 =	sshll.u32 s28, $0x1;
	[dreg:$0x2] =	wrdreg s5  }
0xab: {  	[dreg:$0x3] =	wrdreg s6  }
0xac: {  	[dreg:$0x4] =	wrdreg $0xC0  }
0xad: {  	_ =	task [dreg:s9], $0x5FFFF  }
0xae: {  	[dreg:$0x1] =	wrdreg $0xFFFFFFFF  }
0xaf: {  	[dreg:$0x0] =	wrdreg $0x60  }
0xb0: {  	[dreg:$0x2] =	wrdreg s2  }
0xb1: {  	[dreg:$0x3] =	wrdreg s19  }
0xb2: {  	[dreg:$0x4] =	wrdreg s4  }
0xb3: {  	[dreg:$0x5] =	wrdreg $0x9  }
0xb4: {  	_ =	task.clear_ibuf [dreg:s9], $0x6FFFF;
	_ =	strace $0x90000046  }
0xb5: {  	s29 =	simm.s32 $0x9;
	_ =	strace $0x80000048  }
0xb6: {  	_ =	swait.ge [sflag:s29], $0x1  }
0xb7: {  	[sflag:s29] =	ssyncadd.s32 $0xFFFFFFFF  }
0xb8: {  	_ =	strace $0x90000048  }
0xb9: {  	_ =	sfence  }
0xba: {  	s30 =	sld [smem:$0x0];
	_ =	sdelay $0x2  }
0xbb: {  	s31 =	sshll.u32 s1, $0xD;
	s1 =	sshrl.u32 s1, $0x2  }
0xbc: {  	s3 =	sand.u32 $0x4000, s31;
	s1 =	sadd.s32 s1, s30  }
0xbd: {  	s0 =	sor.u32 s3, s0;
	s1 =	sshll.u32 s1, $0x11  }
0xbe: {  	s0 =	sor.u32 s1, s0  }
0xbf: {  	s0 =	sadd.s32 $0x8F2B, s0  }
0xc0: {  	[sflag:s0] =	ssyncadd.remote.s32 $0x1  }
0xc1: {  	_ =	sfence.sel $0xFFFF  }
0xc2: {  	[dreg:$0x0] =	wrdreg $0xFFFFFFFF;
	(pc) =	sbr.abs _section_cstart, $3  }
0xc3: {  	[dreg:$0x1] =	wrdreg $0xFFFFFFFF  }
0xc4: {  	_ =	task.clear_ibuf [dreg:s9], $0x2FFFF;
	_ =	strace $0x9FFFFFFF  }
0xc5: {  	(tm) =	ssettm $0x7FFFFFFF  }
tec
execute0_lowered:
.L_overlay_start_1:
0x0: {  	(tag) =	ssettag $0x1  }
0x1: {  	s1 =	srdreg.scid;
	s0 =	stileid.u32  }
0x2: {  	s7 =	sand.u32 $0x1, s1;
	s6 =	sshll.u32 s0, $0x1  }
0x3: {  	s6 =	sor.u32 s7, s6  }
0x4: {  	p0 =	sgt.u32 s6, $0x18  }
.Ltmp0:
0x5: {  	s5 =	rddreg [dreg:$0x0];
	(pc) =	sbr.rel @p0 .LBB2_3-.Ltmp0, $4  }
0x6: {  	s2 =	rddreg [dreg:$0x1]  }
0x7: {  	s4 =	rddreg [dreg:$0x2];
	s3 =	simm.s32 $0x0  }
0x8: {  	[smem:$0x7FF] =	sst s3  }
0x9: {  	s1 =	rddreg [dreg:$0x3];
	_ =	strace $0x80000047  }
0xa: {  	s7 =	ssub.s32 $0x2, s7;
	s8 =	sshll.u32 s6, $0x4;
	s5 =	sadd.s32 s5, s6  }
0xb: {  	s10 =	simm.s32 $0x1;
	s11 =	simm.s32 $0x480;
	s9 =	sshrl.u32 s7, $0x1  }
0xc: {  	s4 =	sadd.s32 s4, s8;
	s8 =	simm.s32 $0x8;
	s7 =	ssub.s32 s7, s9  }
0xd: {  	s9 =	simm.s32 $0x80;
	s6 =	smax.u32 s7, $0x1;
	s7 =	simm.s32 $0x2  }
.LBB2_2:
0xe: {  	[tilespmem:s3], [sflag:$0x2] =	stream.linear.gather [hbm4b:s5+s3], $0x8, $0x38;
	[tilespmem:$0x500] =	vst v63  }
0xf: {  	_ =	swait.ge [sflag:s7], $0x8  }
0x10: {  	[sflag:s7] =	ssyncset.done $0x0  }
0x11: {  	[sflag:s7] =	ssyncadd.s32 $0xFFFFFFF8  }
0x12: {  	[tilespmem:s9], [sflag:$0x1] =	stream.indirect.gather [hbm4b:s2+s8], $0x80, s3, s8, $0xb8;
	[tilespmem:$0x500] =	vst v63  }
0x13: {  	_ =	swait.ge [sflag:s10], $0x400  }
0x14: {  	[sflag:s10] =	ssyncset.done $0x0  }
0x15: {  	[sflag:s10] =	ssyncadd.s32 $0xFFFFFC00  }
0x16: {  	v0 =	vld [tilespmem:$0x80]  }
0x17: {  	v1 =	vld [tilespmem:$0x100]  }
0x18: {  	v2 =	vld [tilespmem:$0x180]  }
0x19: {  	v3 =	vld [tilespmem:$0x200]  }
0x1a: {  	v4 =	vld [tilespmem:$0x280]  }
0x1b: {  	v5 =	vld [tilespmem:$0x300]  }
0x1c: {  	v6 =	vld [tilespmem:$0x380]  }
0x1d: {  	v7 =	vld [tilespmem:$0x400]  }
0x1e: {  	v8 =	vld [tilespmem:$0x90]  }
0x1f: {  	v9 =	vld [tilespmem:$0x110]  }
0x20: {  	v10 =	vld [tilespmem:$0x190]  }
0x21: {  	v11 =	vld [tilespmem:$0x210]  }
0x22: {  	v12 =	vld [tilespmem:$0x290]  }
0x23: {  	v13 =	vld [tilespmem:$0x310]  }
0x24: {  	v14 =	vld [tilespmem:$0x390]  }
0x25: {  	v15 =	vld [tilespmem:$0x410]  }
0x26: {  	v16 =	vld [tilespmem:$0xA0]  }
0x27: {  	v17 =	vld [tilespmem:$0x120]  }
0x28: {  	v18 =	vld [tilespmem:$0x1A0]  }
0x29: {  	v19 =	vld [tilespmem:$0x220]  }
0x2a: {  	v20 =	vld [tilespmem:$0x2A0]  }
0x2b: {  	v21 =	vld [tilespmem:$0x320]  }
0x2c: {  	v22 =	vld [tilespmem:$0x3A0]  }
0x2d: {  	v23 =	vld [tilespmem:$0x420]  }
0x2e: {  	v24 =	vld [tilespmem:$0xB0]  }
0x2f: {  	v25 =	vld [tilespmem:$0x130]  }
0x30: {  	v26 =	vld [tilespmem:$0x1B0]  }
0x31: {  	v27 =	vld [tilespmem:$0x230]  }
0x32: {  	v28 =	vld [tilespmem:$0x2B0]  }
0x33: {  	v29 =	vld [tilespmem:$0x330]  }
0x34: {  	v30 =	vld [tilespmem:$0x3B0]  }
0x35: {  	v31 =	vld [tilespmem:$0x430]  }
0x36: {  	v32 =	vld [tilespmem:$0xC0]  }
0x37: {  	v33 =	vld [tilespmem:$0x140]  }
0x38: {  	v34 =	vld [tilespmem:$0x1C0]  }
0x39: {  	v35 =	vld [tilespmem:$0x240]  }
0x3a: {  	v36 =	vld [tilespmem:$0x2C0];
	v0 =	vadd.f32 $0.0e+00, v0;
	v8 =	vadd.f32 $0.0e+00, v8  }
0x3b: {  	v57 =	vld [tilespmem:$0x340];
	v56 =	vadd.f32 $0.0e+00, v16;
	v58 =	vadd.f32 $0.0e+00, v24  }
0x3c: {  	v61 =	vld [tilespmem:$0xD0];
	v42 =	vadd.f32 $0.0e+00, v32;
	v0 =	vadd.f32 v1, v0  }
0x3d: {  	v59 =	vld [tilespmem:$0x3C0];
	v8 =	vadd.f32 v9, v8;
	v1 =	vadd.f32 v17, v56  }
0x3e: {  	v60 =	vld [tilespmem:$0x440];
	v9 =	vadd.f32 v25, v58;
	v17 =	vadd.f32 v33, v42  }
0x3f: {  	v62 =	vld [tilespmem:$0x150];
	v0 =	vadd.f32 v2, v0;
	v8 =	vadd.f32 v10, v8  }
0x40: {  	v63 =	vld [tilespmem:$0x1D0];
	v1 =	vadd.f32 v18, v1;
	v9 =	vadd.f32 v26, v9  }
0x41: {  	v37 =	vld [tilespmem:$0x3D0];
	v10 =	vadd.f32 $0.0e+00, v61;
	v17 =	vadd.f32 v34, v17  }
0x42: {  	v38 =	vld [tilespmem:$0x450];
	v0 =	vadd.f32 v3, v0;
	v8 =	vadd.f32 v11, v8  }
0x43: {  	v39 =	vld [tilespmem:$0xE0];
	v1 =	vadd.f32 v19, v1;
	v9 =	vadd.f32 v27, v9  }
0x44: {  	v40 =	vld [tilespmem:$0xF0];
	v3 =	vadd.f32 v62, v10;
	v17 =	vadd.f32 v35, v17  }
0x45: {  	v25 =	vld [tilespmem:$0x250];
	v0 =	vadd.f32 v4, v0;
	v8 =	vadd.f32 v12, v8  }
0x46: {  	v41 =	vld [tilespmem:$0x160];
	v1 =	vadd.f32 v20, v1;
	v9 =	vadd.f32 v28, v9  }
0x47: {  	v43 =	vld [tilespmem:$0x170];
	v3 =	vadd.f32 v63, v3;
	v17 =	vadd.f32 v36, v17  }
0x48: {  	v44 =	vld [tilespmem:$0x1E0];
	v0 =	vadd.f32 v5, v0;
	v8 =	vadd.f32 v13, v8  }
0x49: {  	v45 =	vld [tilespmem:$0x1F0];
	v1 =	vadd.f32 v21, v1;
	v9 =	vadd.f32 v29, v9  }
0x4a: {  	v46 =	vld [tilespmem:$0x260];
	v3 =	vadd.f32 v25, v3;
	v0 =	vadd.f32 v6, v0  }
0x4b: {  	v26 =	vld [tilespmem:$0x2D0];
	v8 =	vadd.f32 v14, v8;
	v14 =	vadd.f32 $0.0e+00, v39  }
0x4c: {  	v47 =	vld [tilespmem:$0x270];
	v0 =	vadd.f32 v7, v0;
	v7 =	vadd.f32 $0.0e+00, v40  }
0x4d: {  	v48 =	vld [tilespmem:$0x2E0];
	v54 =	vadd.f32 v57, v17;
	v14 =	vadd.f32 v41, v14  }
0x4e: {  	v49 =	vld [tilespmem:$0x2F0];
	v1 =	vadd.f32 v22, v1;
	v7 =	vadd.f32 v43, v7  }
0x4f: {  	v27 =	vld [tilespmem:$0x350];
	v9 =	vadd.f32 v30, v9;
	v14 =	vadd.f32 v44, v14  }
0x50: {  	v51 =	vld [tilespmem:$0x360];
	v3 =	vadd.f32 v26, v3;
	v50 =	vadd.f32 v45, v7  }
0x51: {  	v52 =	vld [tilespmem:$0x370];
	v57 =	vadd.f32 v59, v54;
	v10 =	vadd.f32 v46, v14  }
0x52: {  	v53 =	vld [tilespmem:$0x3E0];
	v8 =	vadd.f32 v15, v8;
	v4 =	vadd.f32 v47, v50  }
0x53: {  	v55 =	vld [tilespmem:$0x3F0];
	v1 =	vadd.f32 v23, v1;
	v10 =	vadd.f32 v48, v10  }
0x54: {  	v56 =	vld [tilespmem:$0x460];
	v3 =	vadd.f32 v27, v3;
	v4 =	vadd.f32 v49, v4  }
0x55: {  	v58 =	vld [tilespmem:$0x470];
	v9 =	vadd.f32 v31, v9;
	[tilespmem:$0x480] =	vst v0;
	v7 =	vadd.f32 v51, v10  }
0x56: {  	[tilespmem:$0x490] =	vst v8;
	v3 =	vadd.f32 v37, v3;
	v4 =	vadd.f32 v52, v4  }
0x57: {  	[tilespmem:$0x4A0] =	vst v1;
	v0 =	vadd.f32 v60, v57;
	v59 =	vadd.f32 v53, v7  }
0x58: {  	[tilespmem:$0x4B0] =	vst v9;
	v60 =	vadd.f32 v38, v3;
	v61 =	vadd.f32 v55, v4  }
0x59: {  	[tilespmem:$0x4C0] =	vst v0;
	v62 =	vadd.f32 v56, v59  }
0x5a: {  	[tilespmem:$0x4D0] =	vst v60;
	v63 =	vadd.f32 v58, v61  }
0x5b: {  	p0 =	sne.s32 s6, $0x1;
	[tilespmem:$0x4E0] =	vst v62  }
.Ltmp1:
0x5c: {  	[tilespmem:$0x4F0] =	vst v63;
	(pc) =	sbr.rel @p0 .LBB2_2-.Ltmp1, $4  }
0x5d: {  	[hbm4b:s4+s3] =	stream.linear.scatter [tilespmem:s11], [sflag:$0x2], $0x80, $0x38;
	[tilespmem:$0x500] =	vst v63  }
0x5e: {  	_ =	swait.ge [sflag:s7], $0x80  }
0x5f: {  	[sflag:s7] =	ssyncset.done $0x0  }
0x60: {  	s6 =	sadd.s32 $0xFFFFFFFF, s6;
	[sflag:s7] =	ssyncadd.s32 $0xFFFFFF80  }
.LBB2_3:
0x61: {  	_ =	sfence.sel $0x180000  }
0x62: {  	[bflag:$0x0] =	sbarrier.arrive $0xFFFF  }
0x63: {  	p0 =	sne.s32 s0, $0x0;
	_ =	strace $0x90000047  }
0x64: {  	s0 =	sadd.s32 @!p0 $0x100000, s1;
	[bflag:$0x2] =	sbarrier.arrive $0xFFFF  }
0x65: {  	[sflag:s0] =	ssyncadd.tile.s32 @!p0 $0x1;
	_ =	shalt  }
.Lfunc_end2:
_tile_overlayer_lowered:
.L_overlay_start_2:
0x66: {  	(tag) =	ssettag $0x2  }
0x67: {  	s0 =	rddreg [dreg:$0x0];
	s2 =	stileid.u32  }
0x68: {  	s1 =	rddreg [dreg:$0x1];
	p0 =	sne.s32 s2, $0x0  }
0x69: {  	s3 =	rddreg [dreg:$0x2];
	[bflag:$0x3] =	sbarrier.arrive $0xFFFF;
	s2 =	simm.s32 @!p0 $0x1C02  }
0x6a: {  	[timem:s3], [sflag:s2] =	dma.local @!p0 [hbm:s0], s1  }
0x6b: {  	s0 =	simm.s32 @!p0 $0x2  }
0x6c: {  	_ =	swait.ge @!p0 [sflag:s0], s1  }
0x6d: {  	s1 =	ssub.s32 @!p0 $0x0, s1;
	[sflag:s0] =	ssyncset.done @!p0 $0x0  }
0x6e: {  	[sflag:s0] =	ssyncadd.s32 @!p0 s1  }
0x6f: {  	[bflag:$0x3] =	sbarrier.arrive $0xFFFF  }
0x70: {  	_ =	shalt  }

</sc_bundles>
